<compile_context>
chip_gen: v7x
topology: tpu7x:2x2x1
jax: 0.10.2.dev20260603
libtpu: 0.0.44.dev20260713+nightly
codegen_flags: <defaults>
</compile_context>

<pallas_src>
import functools

import jax
import jax.numpy as jnp
from jax import lax
from jax.experimental import pallas as pl
from jax.experimental.pallas import tpu as pltpu
from jax.experimental.pallas import tpu_sc as plsc

DIM = 64
NTAB = 1012
VOCAB_P2 = 1002
BATCH = 16384
SEQ = 50
SEQ1 = SEQ + 1
NC, NS = 2, 16
NW = NC * NS
SEQ_PER_W = BATCH // NW
NSQ = 8
NGRP = SEQ_PER_W // NSQ


def _gather_body(tab_hbm, idx_hbm, out_hbm,
                 tab_sp, idx_v, rows_v, isem, gsem, ssem):
    sid = lax.axis_index("s")
    wid = sid * NC + lax.axis_index("c")
    base_seq = wid * SEQ_PER_W

    @pl.when(sid == 0)
    def _fill_table():
        pltpu.sync_copy(tab_hbm, tab_sp)

    plsc.subcore_barrier()

    pltpu.sync_copy(idx_hbm.at[pl.ds(base_seq, NSQ)], idx_v.at[0])

    def body(i, carry):
        b = lax.rem(i, 2)
        pb = 1 - b
        seq0 = base_seq + i * NSQ

        @pl.when(i >= 1)
        def _wait_idx():
            pltpu.make_async_copy(
                idx_hbm.at[pl.ds(base_seq, NSQ)], idx_v.at[b], isem
            ).wait()

        gathers = [
            pltpu.async_copy(
                tab_sp.at[idx_v.at[b].at[j]], rows_v.at[b].at[j], gsem
            )
            for j in range(NSQ)
        ]

        @pl.when(i < NGRP - 1)
        def _prefetch_idx():
            pltpu.async_copy(
                idx_hbm.at[pl.ds(seq0 + NSQ, NSQ)], idx_v.at[pb], isem
            )

        @pl.when(i >= 1)
        def _wait_store():
            pltpu.make_async_copy(
                rows_v.at[pb], out_hbm.at[pl.ds(base_seq, NSQ)], ssem
            ).wait()

        for c in gathers:
            c.wait()
        pltpu.async_copy(rows_v.at[b], out_hbm.at[pl.ds(seq0, NSQ)], ssem)
        return carry

    lax.fori_loop(0, NGRP, body, 0)
    lb = (NGRP - 1) % 2
    pltpu.make_async_copy(
        rows_v.at[lb], out_hbm.at[pl.ds(base_seq, NSQ)], ssem
    ).wait()


_sc_gather = functools.partial(
    pl.kernel,
    out_type=jax.ShapeDtypeStruct((BATCH, SEQ1, DIM), jnp.float32),
    mesh=plsc.VectorSubcoreMesh(core_axis_name="c", subcore_axis_name="s"),
    scratch_types=[
        pltpu.VMEM_SHARED((NTAB, DIM), jnp.float32),
        pltpu.VMEM((2, NSQ, SEQ1), jnp.int32),
        pltpu.VMEM((2, NSQ, SEQ1, DIM), jnp.float32),
        pltpu.SemaphoreType.DMA,
        pltpu.SemaphoreType.DMA,
        pltpu.SemaphoreType.DMA,
    ],
    compiler_params=pltpu.CompilerParams(use_tc_tiling_on_sc=False),
)(_gather_body)


def kernel(tokens, charges, aa_table, charge_table):
    aa_table = aa_table.at[0].set(0.0)
    table = jnp.concatenate([aa_table, charge_table], axis=0)
    cidx = jnp.concatenate(
        [charges.astype(jnp.int32)[:, None] + VOCAB_P2, tokens.astype(jnp.int32)],
        axis=1,
    )
    return _sc_gather(table, cidx)

# --- scband reference (transcript-rebuilt; emitter-appended) ---
"""Pipeline reference for scband-peptide-transformer-59038620450844 (READ-ONLY COPY).

The authoritative reference and input builder live on the scoring server;
editing this copy changes nothing except your own understanding.
"""

import jax, jax.numpy as jnp
import numpy as np

DIM_MODEL = 64
VOCAB_SIZE = 1000
MAX_CHARGE = 10
PADDING_IDX = 0
BATCH = 16384
SEQ_LEN = 50


def setup_inputs(seed: int = 0) -> dict:
    key = jax.random.key(seed)
    k1, k2, k3, k4 = jax.random.split(key, 4)
    tokens = jax.random.randint(k1, (BATCH, SEQ_LEN), 0, VOCAB_SIZE + 2)
    charges = jax.random.randint(k2, (BATCH,), 0, MAX_CHARGE)
    aa_table = jax.random.normal(k3, (VOCAB_SIZE + 2, DIM_MODEL), dtype=jnp.float32)
    aa_table = aa_table.at[PADDING_IDX].set(0.0)
    charge_table = jax.random.normal(k4, (MAX_CHARGE, DIM_MODEL), dtype=jnp.float32)
    return {"tokens": tokens, "charges": charges, "aa_table": aa_table, "charge_table": charge_table}


def reference(tokens, charges, aa_table, charge_table):
    # aa_encoder: embedding with padding_idx (padding row pinned to zero)
    aa_table = aa_table.at[PADDING_IDX].set(0.0)
    encoded = jnp.take(aa_table, tokens, axis=0)  # [B, L, D]
    # pos_encoder is Identity (pos_encoder=False)
    encoded = encoded
    # charge_encoder: embedding lookup, prepended as a leading token
    charge_emb = jnp.take(charge_table, charges, axis=0)  # [B, D]
    out = jnp.concatenate([charge_emb[:, None, :], encoded], axis=1)  # [B, L+1, D]
    return out

if __name__ == "__main__":
    import jax
    _d = setup_inputs()
    print(jax.jit(kernel)(*tuple(_d.values())))

</pallas_src>

<mosaic_0001>
#map = affine_map<(d0, d1) -> (0, 0)>
#map1 = affine_map<(d0, d1) -> (0, 0, 0)>
module attributes {stable_mosaic.version = 14 : i64} {
  func.func @_gather_body(%arg0: i32, %arg1: i32, %arg2: memref<1012x64xf32, #tpu.memory_space<hbm>>, %arg3: memref<16384x51xi32, #tpu.memory_space<hbm>>, %arg4: memref<16384x51x64xf32, #tpu.memory_space<hbm>>, %arg5: memref<1012x64xf32, #tpu.memory_space<vmem_shared>>, %arg6: memref<2x8x51xi32, #tpu.memory_space<vmem>>, %arg7: memref<2x8x51x64xf32, #tpu.memory_space<vmem>>, %arg8: memref<!tpu.dma_semaphore, #tpu.memory_space<semaphore_mem>>, %arg9: memref<!tpu.dma_semaphore, #tpu.memory_space<semaphore_mem>>, %arg10: memref<!tpu.dma_semaphore, #tpu.memory_space<semaphore_mem>>) attributes {dimension_semantics = [#tpu.dimension_semantics<core_parallel>, #tpu.dimension_semantics<subcore_parallel>], iteration_bounds = array<i64: 2, 16>, scalar_prefetch = 0 : i64, scratch_operands = 6 : i64, tpu.core_type = #tpu.core_type<sc_vector_subcore>, window_params = [{transform_indices = #map}, {transform_indices = #map}, {transform_indices = #map1}]} {
    %mul3A = arith.constant 2 : i32
    %mul3A_0 = arith.muli %arg1, %mul3A : i32
    %add3A = arith.addi %mul3A_0, %arg0 : i32
    %mul3A_1 = arith.constant 512 : i32
    %mul3A_2 = arith.muli %add3A, %mul3A_1 : i32
    %eq3A = arith.constant 0 : i32
    %eq3A_3 = arith.cmpi eq, %arg1, %eq3A : i32
    %convert_element_type3A = arith.extui %eq3A_3 : i1 to i32
    %cond3A = arith.constant 0 : i32
    %cond3A_4 = arith.cmpi ne, %convert_element_type3A, %cond3A : i32
    scf.if %cond3A_4 {
      "tpu.region"() ({
        %run_scoped3A_26 = tpu.sem_alloc : memref<!tpu.dma_semaphore, #tpu.memory_space<semaphore_mem>>
        tpu.enqueue_dma source(%arg2 : memref<1012x64xf32, #tpu.memory_space<hbm>>) target(%arg5 : memref<1012x64xf32, #tpu.memory_space<vmem_shared>>) target_semaphore(%run_scoped3A_26 : memref<!tpu.dma_semaphore, #tpu.memory_space<semaphore_mem>>)
        tpu.wait_dma2 semaphore(%run_scoped3A_26 : memref<!tpu.dma_semaphore, #tpu.memory_space<semaphore_mem>>) src(%arg2 : memref<1012x64xf32, #tpu.memory_space<hbm>>) dst(%arg5 : memref<1012x64xf32, #tpu.memory_space<vmem_shared>>)
        tpu.yield
      }) : () -> ()
    } else {
    }
    %barrier3A = arith.constant 0 : index
    tpu.barrier barrier_id(%barrier3A)
    %run_scoped3A = arith.constant 0 : i32
    "tpu.region"() ({
      %run_scoped3A_26 = tpu.sem_alloc : memref<!tpu.dma_semaphore, #tpu.memory_space<semaphore_mem>>
      %dma_start3A = arith.constant 0 : i32
      %dma_start3A_27 = arith.constant 0 : i32
      %dma_start3A_28 = tpu.memref_slice %arg6[%run_scoped3A, %dma_start3A, %dma_start3A_27] : memref<2x8x51xi32, #tpu.memory_space<vmem>> -> memref<1x8x51xi32, #tpu.memory_space<vmem>>
      %dma_start3A_29 = tpu.memref_squeeze %dma_start3A_28 : memref<1x8x51xi32, #tpu.memory_space<vmem>> -> memref<8x51xi32, #tpu.memory_space<vmem>>
      %dma_start3A_30 = arith.constant 0 : i32
      %dma_start3A_31 = tpu.memref_slice %arg3[%mul3A_2, %dma_start3A_30] : memref<16384x51xi32, #tpu.memory_space<hbm>> -> memref<8x51xi32, #tpu.memory_space<hbm>>
      %dma_start3A_32 = arith.constant 0 : i32
      %dma_start3A_33 = arith.constant 0 : i32
      %dma_start3A_34 = tpu.memref_slice %arg6[%run_scoped3A, %dma_start3A_32, %dma_start3A_33] : memref<2x8x51xi32, #tpu.memory_space<vmem>> -> memref<1x8x51xi32, #tpu.memory_space<vmem>>
      %dma_start3A_35 = tpu.memref_squeeze %dma_start3A_34 : memref<1x8x51xi32, #tpu.memory_space<vmem>> -> memref<8x51xi32, #tpu.memory_space<vmem>>
      %dma_start3A_36 = arith.constant 0 : i32
      %dma_start3A_37 = tpu.memref_slice %arg3[%mul3A_2, %dma_start3A_36] : memref<16384x51xi32, #tpu.memory_space<hbm>> -> memref<8x51xi32, #tpu.memory_space<hbm>>
      tpu.enqueue_dma source(%dma_start3A_37 : memref<8x51xi32, #tpu.memory_space<hbm>>) target(%dma_start3A_35 : memref<8x51xi32, #tpu.memory_space<vmem>>) target_semaphore(%run_scoped3A_26 : memref<!tpu.dma_semaphore, #tpu.memory_space<semaphore_mem>>)
      %dma_wait3A_38 = arith.constant 0 : i32
      %dma_wait3A_39 = arith.constant 0 : i32
      %dma_wait3A_40 = tpu.memref_slice %arg6[%run_scoped3A, %dma_wait3A_38, %dma_wait3A_39] : memref<2x8x51xi32, #tpu.memory_space<vmem>> -> memref<1x8x51xi32, #tpu.memory_space<vmem>>
      %dma_wait3A_41 = tpu.memref_squeeze %dma_wait3A_40 : memref<1x8x51xi32, #tpu.memory_space<vmem>> -> memref<8x51xi32, #tpu.memory_space<vmem>>
      %dma_wait3A_42 = arith.constant 0 : i32
      %dma_wait3A_43 = tpu.memref_slice %arg3[%mul3A_2, %dma_wait3A_42] : memref<16384x51xi32, #tpu.memory_space<hbm>> -> memref<8x51xi32, #tpu.memory_space<hbm>>
      %dma_wait3A_44 = arith.constant 0 : i32
      %dma_wait3A_45 = arith.constant 0 : i32
      %dma_wait3A_46 = tpu.memref_slice %arg6[%run_scoped3A, %dma_wait3A_44, %dma_wait3A_45] : memref<2x8x51xi32, #tpu.memory_space<vmem>> -> memref<1x8x51xi32, #tpu.memory_space<vmem>>
      %dma_wait3A_47 = tpu.memref_squeeze %dma_wait3A_46 : memref<1x8x51xi32, #tpu.memory_space<vmem>> -> memref<8x51xi32, #tpu.memory_space<vmem>>
      %dma_wait3A_48 = arith.constant 0 : i32
      %dma_wait3A_49 = tpu.memref_slice %arg3[%mul3A_2, %dma_wait3A_48] : memref<16384x51xi32, #tpu.memory_space<hbm>> -> memref<8x51xi32, #tpu.memory_space<hbm>>
      tpu.wait_dma2 semaphore(%run_scoped3A_26 : memref<!tpu.dma_semaphore, #tpu.memory_space<semaphore_mem>>) src(%dma_wait3A_49 : memref<8x51xi32, #tpu.memory_space<hbm>>) dst(%dma_wait3A_47 : memref<8x51xi32, #tpu.memory_space<vmem>>)
      tpu.yield
    }) : () -> ()
    %scan3A = arith.constant 0 : i32
    %scan3A_5 = arith.constant 0 : i32
    %scan3A_6 = arith.constant 64 : i32
    %scan3A_7 = arith.addi %scan3A_5, %scan3A_6 : i32
    %scan3A_8 = arith.constant 1 : i32
    scf.for %scan3A_26 = %scan3A_5 to %scan3A_7 step %scan3A_8  : i32 {
      %rem3A = arith.constant 2 : i32
      %rem3A_27 = arith.remsi %scan3A_26, %rem3A : i32
      %sub3A = arith.constant 1 : i32
      %sub3A_28 = arith.subi %sub3A, %rem3A_27 : i32
      %mul3A_29 = arith.constant 8 : i32
      %mul3A_30 = arith.muli %scan3A_26, %mul3A_29 : i32
      %add3A_31 = arith.addi %mul3A_2, %mul3A_30 : i32
      %ge3A = arith.constant 1 : i32
      %ge3A_32 = arith.cmpi sge, %scan3A_26, %ge3A : i32
      %convert_element_type3A_33 = arith.extui %ge3A_32 : i1 to i32
      %cond3A_34 = arith.constant 0 : i32
      %cond3A_35 = arith.cmpi ne, %convert_element_type3A_33, %cond3A_34 : i32
      scf.if %cond3A_35 {
        %dma_wait3A_396 = arith.constant 0 : i32
        %dma_wait3A_397 = arith.constant 0 : i32
        %dma_wait3A_398 = tpu.memref_slice %arg6[%rem3A_27, %dma_wait3A_396, %dma_wait3A_397] : memref<2x8x51xi32, #tpu.memory_space<vmem>> -> memref<1x8x51xi32, #tpu.memory_space<vmem>>
        %dma_wait3A_399 = tpu.memref_squeeze %dma_wait3A_398 : memref<1x8x51xi32, #tpu.memory_space<vmem>> -> memref<8x51xi32, #tpu.memory_space<vmem>>
        %dma_wait3A_400 = arith.constant 0 : i32
        %dma_wait3A_401 = tpu.memref_slice %arg3[%mul3A_2, %dma_wait3A_400] : memref<16384x51xi32, #tpu.memory_space<hbm>> -> memref<8x51xi32, #tpu.memory_space<hbm>>
        %dma_wait3A_402 = arith.constant 0 : i32
        %dma_wait3A_403 = arith.constant 0 : i32
        %dma_wait3A_404 = tpu.memref_slice %arg6[%rem3A_27, %dma_wait3A_402, %dma_wait3A_403] : memref<2x8x51xi32, #tpu.memory_space<vmem>> -> memref<1x8x51xi32, #tpu.memory_space<vmem>>
        %dma_wait3A_405 = tpu.memref_squeeze %dma_wait3A_404 : memref<1x8x51xi32, #tpu.memory_space<vmem>> -> memref<8x51xi32, #tpu.memory_space<vmem>>
        %dma_wait3A_406 = arith.constant 0 : i32
        %dma_wait3A_407 = tpu.memref_slice %arg3[%mul3A_2, %dma_wait3A_406] : memref<16384x51xi32, #tpu.memory_space<hbm>> -> memref<8x51xi32, #tpu.memory_space<hbm>>
        tpu.wait_dma2 semaphore(%arg8 : memref<!tpu.dma_semaphore, #tpu.memory_space<semaphore_mem>>) src(%dma_wait3A_407 : memref<8x51xi32, #tpu.memory_space<hbm>>) dst(%dma_wait3A_405 : memref<8x51xi32, #tpu.memory_space<vmem>>)
      } else {
      }
      %dma_start3A = arith.constant 0 : i32
      %dma_start3A_36 = arith.constant 0 : i32
      %dma_start3A_37 = arith.constant 0 : i32
      %dma_start3A_38 = arith.constant 0 : i32
      %dma_start3A_39 = arith.constant 0 : i32
      %dma_start3A_40 = tpu.memref_slice %arg7[%rem3A_27, %dma_start3A_37, %dma_start3A_38, %dma_start3A_39] : memref<2x8x51x64xf32, #tpu.memory_space<vmem>> -> memref<1x8x51x64xf32, #tpu.memory_space<vmem>>
      %dma_start3A_41 = tpu.memref_squeeze %dma_start3A_40 : memref<1x8x51x64xf32, #tpu.memory_space<vmem>> -> memref<8x51x64xf32, #tpu.memory_space<vmem>>
      %dma_start3A_42 = arith.constant 0 : i32
      %dma_start3A_43 = arith.constant 0 : i32
      %dma_start3A_44 = tpu.memref_slice %dma_start3A_41[%dma_start3A_36, %dma_start3A_42, %dma_start3A_43] : memref<8x51x64xf32, #tpu.memory_space<vmem>> -> memref<1x51x64xf32, #tpu.memory_space<vmem>>
      %dma_start3A_45 = tpu.memref_squeeze %dma_start3A_44 : memref<1x51x64xf32, #tpu.memory_space<vmem>> -> memref<51x64xf32, #tpu.memory_space<vmem>>
      %dma_start3A_46 = arith.constant 0 : i32
      %dma_start3A_47 = arith.constant 0 : i32
      %dma_start3A_48 = tpu.memref_slice %arg6[%rem3A_27, %dma_start3A_46, %dma_start3A_47] : memref<2x8x51xi32, #tpu.memory_space<vmem>> -> memref<1x8x51xi32, #tpu.memory_space<vmem>>
      %dma_start3A_49 = tpu.memref_squeeze %dma_start3A_48 : memref<1x8x51xi32, #tpu.memory_space<vmem>> -> memref<8x51xi32, #tpu.memory_space<vmem>>
      %dma_start3A_50 = arith.constant 0 : i32
      %dma_start3A_51 = tpu.memref_slice %dma_start3A_49[%dma_start3A, %dma_start3A_50] : memref<8x51xi32, #tpu.memory_space<vmem>> -> memref<1x51xi32, #tpu.memory_space<vmem>>
      %dma_start3A_52 = tpu.memref_squeeze %dma_start3A_51 : memref<1x51xi32, #tpu.memory_space<vmem>> -> memref<51xi32, #tpu.memory_space<vmem>>
      %dma_start3A_53 = arith.constant 0 : i32
      %dma_start3A_54 = arith.constant 0 : i32
      %dma_start3A_55 = tpu.memref_slice %arg5[%dma_start3A_53, %dma_start3A_54] : memref<1012x64xf32, #tpu.memory_space<vmem_shared>> -> memref<1012x64xf32, #tpu.memory_space<vmem_shared>>
      tpu.enqueue_indirect_dma source(%dma_start3A_55 : memref<1012x64xf32, #tpu.memory_space<vmem_shared>>) target(%dma_start3A_45 : memref<51x64xf32, #tpu.memory_space<vmem>>) offsets(%dma_start3A_52 : memref<51xi32, #tpu.memory_space<vmem>>) semaphore(%arg9 : memref<!tpu.dma_semaphore, #tpu.memory_space<semaphore_mem>>)
      %dma_start3A_56 = arith.constant 1 : i32
      %dma_start3A_57 = arith.constant 1 : i32
      %dma_start3A_58 = arith.constant 0 : i32
      %dma_start3A_59 = arith.constant 0 : i32
      %dma_start3A_60 = arith.constant 0 : i32
      %dma_start3A_61 = tpu.memref_slice %arg7[%rem3A_27, %dma_start3A_58, %dma_start3A_59, %dma_start3A_60] : memref<2x8x51x64xf32, #tpu.memory_space<vmem>> -> memref<1x8x51x64xf32, #tpu.memory_space<vmem>>
      %dma_start3A_62 = tpu.memref_squeeze %dma_start3A_61 : memref<1x8x51x64xf32, #tpu.memory_space<vmem>> -> memref<8x51x64xf32, #tpu.memory_space<vmem>>
      %dma_start3A_63 = arith.constant 0 : i32
      %dma_start3A_64 = arith.constant 0 : i32
      %dma_start3A_65 = tpu.memref_slice %dma_start3A_62[%dma_start3A_57, %dma_start3A_63, %dma_start3A_64] : memref<8x51x64xf32, #tpu.memory_space<vmem>> -> memref<1x51x64xf32, #tpu.memory_space<vmem>>
      %dma_start3A_66 = tpu.memref_squeeze %dma_start3A_65 : memref<1x51x64xf32, #tpu.memory_space<vmem>> -> memref<51x64xf32, #tpu.memory_space<vmem>>
      %dma_start3A_67 = arith.constant 0 : i32
      %dma_start3A_68 = arith.constant 0 : i32
      %dma_start3A_69 = tpu.memref_slice %arg6[%rem3A_27, %dma_start3A_67, %dma_start3A_68] : memref<2x8x51xi32, #tpu.memory_space<vmem>> -> memref<1x8x51xi32, #tpu.memory_space<vmem>>
      %dma_start3A_70 = tpu.memref_squeeze %dma_start3A_69 : memref<1x8x51xi32, #tpu.memory_space<vmem>> -> memref<8x51xi32, #tpu.memory_space<vmem>>
      %dma_start3A_71 = arith.constant 0 : i32
      %dma_start3A_72 = tpu.memref_slice %dma_start3A_70[%dma_start3A_56, %dma_start3A_71] : memref<8x51xi32, #tpu.memory_space<vmem>> -> memref<1x51xi32, #tpu.memory_space<vmem>>
      %dma_start3A_73 = tpu.memref_squeeze %dma_start3A_72 : memref<1x51xi32, #tpu.memory_space<vmem>> -> memref<51xi32, #tpu.memory_space<vmem>>
      %dma_start3A_74 = arith.constant 0 : i32
      %dma_start3A_75 = arith.constant 0 : i32
      %dma_start3A_76 = tpu.memref_slice %arg5[%dma_start3A_74, %dma_start3A_75] : memref<1012x64xf32, #tpu.memory_space<vmem_shared>> -> memref<1012x64xf32, #tpu.memory_space<vmem_shared>>
      tpu.enqueue_indirect_dma source(%dma_start3A_76 : memref<1012x64xf32, #tpu.memory_space<vmem_shared>>) target(%dma_start3A_66 : memref<51x64xf32, #tpu.memory_space<vmem>>) offsets(%dma_start3A_73 : memref<51xi32, #tpu.memory_space<vmem>>) semaphore(%arg9 : memref<!tpu.dma_semaphore, #tpu.memory_space<semaphore_mem>>)
      %dma_start3A_77 = arith.constant 2 : i32
      %dma_start3A_78 = arith.constant 2 : i32
      %dma_start3A_79 = arith.constant 0 : i32
      %dma_start3A_80 = arith.constant 0 : i32
      %dma_start3A_81 = arith.constant 0 : i32
      %dma_start3A_82 = tpu.memref_slice %arg7[%rem3A_27, %dma_start3A_79, %dma_start3A_80, %dma_start3A_81] : memref<2x8x51x64xf32, #tpu.memory_space<vmem>> -> memref<1x8x51x64xf32, #tpu.memory_space<vmem>>
      %dma_start3A_83 = tpu.memref_squeeze %dma_start3A_82 : memref<1x8x51x64xf32, #tpu.memory_space<vmem>> -> memref<8x51x64xf32, #tpu.memory_space<vmem>>
      %dma_start3A_84 = arith.constant 0 : i32
      %dma_start3A_85 = arith.constant 0 : i32
      %dma_start3A_86 = tpu.memref_slice %dma_start3A_83[%dma_start3A_78, %dma_start3A_84, %dma_start3A_85] : memref<8x51x64xf32, #tpu.memory_space<vmem>> -> memref<1x51x64xf32, #tpu.memory_space<vmem>>
      %dma_start3A_87 = tpu.memref_squeeze %dma_start3A_86 : memref<1x51x64xf32, #tpu.memory_space<vmem>> -> memref<51x64xf32, #tpu.memory_space<vmem>>
      %dma_start3A_88 = arith.constant 0 : i32
      %dma_start3A_89 = arith.constant 0 : i32
      %dma_start3A_90 = tpu.memref_slice %arg6[%rem3A_27, %dma_start3A_88, %dma_start3A_89] : memref<2x8x51xi32, #tpu.memory_space<vmem>> -> memref<1x8x51xi32, #tpu.memory_space<vmem>>
      %dma_start3A_91 = tpu.memref_squeeze %dma_start3A_90 : memref<1x8x51xi32, #tpu.memory_space<vmem>> -> memref<8x51xi32, #tpu.memory_space<vmem>>
      %dma_start3A_92 = arith.constant 0 : i32
      %dma_start3A_93 = tpu.memref_slice %dma_start3A_91[%dma_start3A_77, %dma_start3A_92] : memref<8x51xi32, #tpu.memory_space<vmem>> -> memref<1x51xi32, #tpu.memory_space<vmem>>
      %dma_start3A_94 = tpu.memref_squeeze %dma_start3A_93 : memref<1x51xi32, #tpu.memory_space<vmem>> -> memref<51xi32, #tpu.memory_space<vmem>>
      %dma_start3A_95 = arith.constant 0 : i32
      %dma_start3A_96 = arith.constant 0 : i32
      %dma_start3A_97 = tpu.memref_slice %arg5[%dma_start3A_95, %dma_start3A_96] : memref<1012x64xf32, #tpu.memory_space<vmem_shared>> -> memref<1012x64xf32, #tpu.memory_space<vmem_shared>>
      tpu.enqueue_indirect_dma source(%dma_start3A_97 : memref<1012x64xf32, #tpu.memory_space<vmem_shared>>) target(%dma_start3A_87 : memref<51x64xf32, #tpu.memory_space<vmem>>) offsets(%dma_start3A_94 : memref<51xi32, #tpu.memory_space<vmem>>) semaphore(%arg9 : memref<!tpu.dma_semaphore, #tpu.memory_space<semaphore_mem>>)
      %dma_start3A_98 = arith.constant 3 : i32
      %dma_start3A_99 = arith.constant 3 : i32
      %dma_start3A_100 = arith.constant 0 : i32
      %dma_start3A_101 = arith.constant 0 : i32
      %dma_start3A_102 = arith.constant 0 : i32
      %dma_start3A_103 = tpu.memref_slice %arg7[%rem3A_27, %dma_start3A_100, %dma_start3A_101, %dma_start3A_102] : memref<2x8x51x64xf32, #tpu.memory_space<vmem>> -> memref<1x8x51x64xf32, #tpu.memory_space<vmem>>
      %dma_start3A_104 = tpu.memref_squeeze %dma_start3A_103 : memref<1x8x51x64xf32, #tpu.memory_space<vmem>> -> memref<8x51x64xf32, #tpu.memory_space<vmem>>
      %dma_start3A_105 = arith.constant 0 : i32
      %dma_start3A_106 = arith.constant 0 : i32
      %dma_start3A_107 = tpu.memref_slice %dma_start3A_104[%dma_start3A_99, %dma_start3A_105, %dma_start3A_106] : memref<8x51x64xf32, #tpu.memory_space<vmem>> -> memref<1x51x64xf32, #tpu.memory_space<vmem>>
      %dma_start3A_108 = tpu.memref_squeeze %dma_start3A_107 : memref<1x51x64xf32, #tpu.memory_space<vmem>> -> memref<51x64xf32, #tpu.memory_space<vmem>>
      %dma_start3A_109 = arith.constant 0 : i32
      %dma_start3A_110 = arith.constant 0 : i32
      %dma_start3A_111 = tpu.memref_slice %arg6[%rem3A_27, %dma_start3A_109, %dma_start3A_110] : memref<2x8x51xi32, #tpu.memory_space<vmem>> -> memref<1x8x51xi32, #tpu.memory_space<vmem>>
      %dma_start3A_112 = tpu.memref_squeeze %dma_start3A_111 : memref<1x8x51xi32, #tpu.memory_space<vmem>> -> memref<8x51xi32, #tpu.memory_space<vmem>>
      %dma_start3A_113 = arith.constant 0 : i32
      %dma_start3A_114 = tpu.memref_slice %dma_start3A_112[%dma_start3A_98, %dma_start3A_113] : memref<8x51xi32, #tpu.memory_space<vmem>> -> memref<1x51xi32, #tpu.memory_space<vmem>>
      %dma_start3A_115 = tpu.memref_squeeze %dma_start3A_114 : memref<1x51xi32, #tpu.memory_space<vmem>> -> memref<51xi32, #tpu.memory_space<vmem>>
      %dma_start3A_116 = arith.constant 0 : i32
      %dma_start3A_117 = arith.constant 0 : i32
      %dma_start3A_118 = tpu.memref_slice %arg5[%dma_start3A_116, %dma_start3A_117] : memref<1012x64xf32, #tpu.memory_space<vmem_shared>> -> memref<1012x64xf32, #tpu.memory_space<vmem_shared>>
      tpu.enqueue_indirect_dma source(%dma_start3A_118 : memref<1012x64xf32, #tpu.memory_space<vmem_shared>>) target(%dma_start3A_108 : memref<51x64xf32, #tpu.memory_space<vmem>>) offsets(%dma_start3A_115 : memref<51xi32, #tpu.memory_space<vmem>>) semaphore(%arg9 : memref<!tpu.dma_semaphore, #tpu.memory_space<semaphore_mem>>)
      %dma_start3A_119 = arith.constant 4 : i32
      %dma_start3A_120 = arith.constant 4 : i32
      %dma_start3A_121 = arith.constant 0 : i32
      %dma_start3A_122 = arith.constant 0 : i32
      %dma_start3A_123 = arith.constant 0 : i32
      %dma_start3A_124 = tpu.memref_slice %arg7[%rem3A_27, %dma_start3A_121, %dma_start3A_122, %dma_start3A_123] : memref<2x8x51x64xf32, #tpu.memory_space<vmem>> -> memref<1x8x51x64xf32, #tpu.memory_space<vmem>>
      %dma_start3A_125 = tpu.memref_squeeze %dma_start3A_124 : memref<1x8x51x64xf32, #tpu.memory_space<vmem>> -> memref<8x51x64xf32, #tpu.memory_space<vmem>>
      %dma_start3A_126 = arith.constant 0 : i32
      %dma_start3A_127 = arith.constant 0 : i32
      %dma_start3A_128 = tpu.memref_slice %dma_start3A_125[%dma_start3A_120, %dma_start3A_126, %dma_start3A_127] : memref<8x51x64xf32, #tpu.memory_space<vmem>> -> memref<1x51x64xf32, #tpu.memory_space<vmem>>
      %dma_start3A_129 = tpu.memref_squeeze %dma_start3A_128 : memref<1x51x64xf32, #tpu.memory_space<vmem>> -> memref<51x64xf32, #tpu.memory_space<vmem>>
      %dma_start3A_130 = arith.constant 0 : i32
      %dma_start3A_131 = arith.constant 0 : i32
      %dma_start3A_132 = tpu.memref_slice %arg6[%rem3A_27, %dma_start3A_130, %dma_start3A_131] : memref<2x8x51xi32, #tpu.memory_space<vmem>> -> memref<1x8x51xi32, #tpu.memory_space<vmem>>
      %dma_start3A_133 = tpu.memref_squeeze %dma_start3A_132 : memref<1x8x51xi32, #tpu.memory_space<vmem>> -> memref<8x51xi32, #tpu.memory_space<vmem>>
      %dma_start3A_134 = arith.constant 0 : i32
      %dma_start3A_135 = tpu.memref_slice %dma_start3A_133[%dma_start3A_119, %dma_start3A_134] : memref<8x51xi32, #tpu.memory_space<vmem>> -> memref<1x51xi32, #tpu.memory_space<vmem>>
      %dma_start3A_136 = tpu.memref_squeeze %dma_start3A_135 : memref<1x51xi32, #tpu.memory_space<vmem>> -> memref<51xi32, #tpu.memory_space<vmem>>
      %dma_start3A_137 = arith.constant 0 : i32
      %dma_start3A_138 = arith.constant 0 : i32
      %dma_start3A_139 = tpu.memref_slice %arg5[%dma_start3A_137, %dma_start3A_138] : memref<1012x64xf32, #tpu.memory_space<vmem_shared>> -> memref<1012x64xf32, #tpu.memory_space<vmem_shared>>
      tpu.enqueue_indirect_dma source(%dma_start3A_139 : memref<1012x64xf32, #tpu.memory_space<vmem_shared>>) target(%dma_start3A_129 : memref<51x64xf32, #tpu.memory_space<vmem>>) offsets(%dma_start3A_136 : memref<51xi32, #tpu.memory_space<vmem>>) semaphore(%arg9 : memref<!tpu.dma_semaphore, #tpu.memory_space<semaphore_mem>>)
      %dma_start3A_140 = arith.constant 5 : i32
      %dma_start3A_141 = arith.constant 5 : i32
      %dma_start3A_142 = arith.constant 0 : i32
      %dma_start3A_143 = arith.constant 0 : i32
      %dma_start3A_144 = arith.constant 0 : i32
      %dma_start3A_145 = tpu.memref_slice %arg7[%rem3A_27, %dma_start3A_142, %dma_start3A_143, %dma_start3A_144] : memref<2x8x51x64xf32, #tpu.memory_space<vmem>> -> memref<1x8x51x64xf32, #tpu.memory_space<vmem>>
      %dma_start3A_146 = tpu.memref_squeeze %dma_start3A_145 : memref<1x8x51x64xf32, #tpu.memory_space<vmem>> -> memref<8x51x64xf32, #tpu.memory_space<vmem>>
      %dma_start3A_147 = arith.constant 0 : i32
      %dma_start3A_148 = arith.constant 0 : i32
      %dma_start3A_149 = tpu.memref_slice %dma_start3A_146[%dma_start3A_141, %dma_start3A_147, %dma_start3A_148] : memref<8x51x64xf32, #tpu.memory_space<vmem>> -> memref<1x51x64xf32, #tpu.memory_space<vmem>>
      %dma_start3A_150 = tpu.memref_squeeze %dma_start3A_149 : memref<1x51x64xf32, #tpu.memory_space<vmem>> -> memref<51x64xf32, #tpu.memory_space<vmem>>
      %dma_start3A_151 = arith.constant 0 : i32
      %dma_start3A_152 = arith.constant 0 : i32
      %dma_start3A_153 = tpu.memref_slice %arg6[%rem3A_27, %dma_start3A_151, %dma_start3A_152] : memref<2x8x51xi32, #tpu.memory_space<vmem>> -> memref<1x8x51xi32, #tpu.memory_space<vmem>>
      %dma_start3A_154 = tpu.memref_squeeze %dma_start3A_153 : memref<1x8x51xi32, #tpu.memory_space<vmem>> -> memref<8x51xi32, #tpu.memory_space<vmem>>
      %dma_start3A_155 = arith.constant 0 : i32
      %dma_start3A_156 = tpu.memref_slice %dma_start3A_154[%dma_start3A_140, %dma_start3A_155] : memref<8x51xi32, #tpu.memory_space<vmem>> -> memref<1x51xi32, #tpu.memory_space<vmem>>
      %dma_start3A_157 = tpu.memref_squeeze %dma_start3A_156 : memref<1x51xi32, #tpu.memory_space<vmem>> -> memref<51xi32, #tpu.memory_space<vmem>>
      %dma_start3A_158 = arith.constant 0 : i32
      %dma_start3A_159 = arith.constant 0 : i32
      %dma_start3A_160 = tpu.memref_slice %arg5[%dma_start3A_158, %dma_start3A_159] : memref<1012x64xf32, #tpu.memory_space<vmem_shared>> -> memref<1012x64xf32, #tpu.memory_space<vmem_shared>>
      tpu.enqueue_indirect_dma source(%dma_start3A_160 : memref<1012x64xf32, #tpu.memory_space<vmem_shared>>) target(%dma_start3A_150 : memref<51x64xf32, #tpu.memory_space<vmem>>) offsets(%dma_start3A_157 : memref<51xi32, #tpu.memory_space<vmem>>) semaphore(%arg9 : memref<!tpu.dma_semaphore, #tpu.memory_space<semaphore_mem>>)
      %dma_start3A_161 = arith.constant 6 : i32
      %dma_start3A_162 = arith.constant 6 : i32
      %dma_start3A_163 = arith.constant 0 : i32
      %dma_start3A_164 = arith.constant 0 : i32
      %dma_start3A_165 = arith.constant 0 : i32
      %dma_start3A_166 = tpu.memref_slice %arg7[%rem3A_27, %dma_start3A_163, %dma_start3A_164, %dma_start3A_165] : memref<2x8x51x64xf32, #tpu.memory_space<vmem>> -> memref<1x8x51x64xf32, #tpu.memory_space<vmem>>
      %dma_start3A_167 = tpu.memref_squeeze %dma_start3A_166 : memref<1x8x51x64xf32, #tpu.memory_space<vmem>> -> memref<8x51x64xf32, #tpu.memory_space<vmem>>
      %dma_start3A_168 = arith.constant 0 : i32
      %dma_start3A_169 = arith.constant 0 : i32
      %dma_start3A_170 = tpu.memref_slice %dma_start3A_167[%dma_start3A_162, %dma_start3A_168, %dma_start3A_169] : memref<8x51x64xf32, #tpu.memory_space<vmem>> -> memref<1x51x64xf32, #tpu.memory_space<vmem>>
      %dma_start3A_171 = tpu.memref_squeeze %dma_start3A_170 : memref<1x51x64xf32, #tpu.memory_space<vmem>> -> memref<51x64xf32, #tpu.memory_space<vmem>>
      %dma_start3A_172 = arith.constant 0 : i32
      %dma_start3A_173 = arith.constant 0 : i32
      %dma_start3A_174 = tpu.memref_slice %arg6[%rem3A_27, %dma_start3A_172, %dma_start3A_173] : memref<2x8x51xi32, #tpu.memory_space<vmem>> -> memref<1x8x51xi32, #tpu.memory_space<vmem>>
      %dma_start3A_175 = tpu.memref_squeeze %dma_start3A_174 : memref<1x8x51xi32, #tpu.memory_space<vmem>> -> memref<8x51xi32, #tpu.memory_space<vmem>>
      %dma_start3A_176 = arith.constant 0 : i32
      %dma_start3A_177 = tpu.memref_slice %dma_start3A_175[%dma_start3A_161, %dma_start3A_176] : memref<8x51xi32, #tpu.memory_space<vmem>> -> memref<1x51xi32, #tpu.memory_space<vmem>>
      %dma_start3A_178 = tpu.memref_squeeze %dma_start3A_177 : memref<1x51xi32, #tpu.memory_space<vmem>> -> memref<51xi32, #tpu.memory_space<vmem>>
      %dma_start3A_179 = arith.constant 0 : i32
      %dma_start3A_180 = arith.constant 0 : i32
      %dma_start3A_181 = tpu.memref_slice %arg5[%dma_start3A_179, %dma_start3A_180] : memref<1012x64xf32, #tpu.memory_space<vmem_shared>> -> memref<1012x64xf32, #tpu.memory_space<vmem_shared>>
      tpu.enqueue_indirect_dma source(%dma_start3A_181 : memref<1012x64xf32, #tpu.memory_space<vmem_shared>>) target(%dma_start3A_171 : memref<51x64xf32, #tpu.memory_space<vmem>>) offsets(%dma_start3A_178 : memref<51xi32, #tpu.memory_space<vmem>>) semaphore(%arg9 : memref<!tpu.dma_semaphore, #tpu.memory_space<semaphore_mem>>)
      %dma_start3A_182 = arith.constant 7 : i32
      %dma_start3A_183 = arith.constant 7 : i32
      %dma_start3A_184 = arith.constant 0 : i32
      %dma_start3A_185 = arith.constant 0 : i32
      %dma_start3A_186 = arith.constant 0 : i32
      %dma_start3A_187 = tpu.memref_slice %arg7[%rem3A_27, %dma_start3A_184, %dma_start3A_185, %dma_start3A_186] : memref<2x8x51x64xf32, #tpu.memory_space<vmem>> -> memref<1x8x51x64xf32, #tpu.memory_space<vmem>>
      %dma_start3A_188 = tpu.memref_squeeze %dma_start3A_187 : memref<1x8x51x64xf32, #tpu.memory_space<vmem>> -> memref<8x51x64xf32, #tpu.memory_space<vmem>>
      %dma_start3A_189 = arith.constant 0 : i32
      %dma_start3A_190 = arith.constant 0 : i32
      %dma_start3A_191 = tpu.memref_slice %dma_start3A_188[%dma_start3A_183, %dma_start3A_189, %dma_start3A_190] : memref<8x51x64xf32, #tpu.memory_space<vmem>> -> memref<1x51x64xf32, #tpu.memory_space<vmem>>
      %dma_start3A_192 = tpu.memref_squeeze %dma_start3A_191 : memref<1x51x64xf32, #tpu.memory_space<vmem>> -> memref<51x64xf32, #tpu.memory_space<vmem>>
      %dma_start3A_193 = arith.constant 0 : i32
      %dma_start3A_194 = arith.constant 0 : i32
      %dma_start3A_195 = tpu.memref_slice %arg6[%rem3A_27, %dma_start3A_193, %dma_start3A_194] : memref<2x8x51xi32, #tpu.memory_space<vmem>> -> memref<1x8x51xi32, #tpu.memory_space<vmem>>
      %dma_start3A_196 = tpu.memref_squeeze %dma_start3A_195 : memref<1x8x51xi32, #tpu.memory_space<vmem>> -> memref<8x51xi32, #tpu.memory_space<vmem>>
      %dma_start3A_197 = arith.constant 0 : i32
      %dma_start3A_198 = tpu.memref_slice %dma_start3A_196[%dma_start3A_182, %dma_start3A_197] : memref<8x51xi32, #tpu.memory_space<vmem>> -> memref<1x51xi32, #tpu.memory_space<vmem>>
      %dma_start3A_199 = tpu.memref_squeeze %dma_start3A_198 : memref<1x51xi32, #tpu.memory_space<vmem>> -> memref<51xi32, #tpu.memory_space<vmem>>
      %dma_start3A_200 = arith.constant 0 : i32
      %dma_start3A_201 = arith.constant 0 : i32
      %dma_start3A_202 = tpu.memref_slice %arg5[%dma_start3A_200, %dma_start3A_201] : memref<1012x64xf32, #tpu.memory_space<vmem_shared>> -> memref<1012x64xf32, #tpu.memory_space<vmem_shared>>
      tpu.enqueue_indirect_dma source(%dma_start3A_202 : memref<1012x64xf32, #tpu.memory_space<vmem_shared>>) target(%dma_start3A_192 : memref<51x64xf32, #tpu.memory_space<vmem>>) offsets(%dma_start3A_199 : memref<51xi32, #tpu.memory_space<vmem>>) semaphore(%arg9 : memref<!tpu.dma_semaphore, #tpu.memory_space<semaphore_mem>>)
      %lt3A = arith.constant 63 : i32
      %lt3A_203 = arith.cmpi slt, %scan3A_26, %lt3A : i32
      %convert_element_type3A_204 = arith.extui %lt3A_203 : i1 to i32
      %cond3A_205 = arith.constant 0 : i32
      %cond3A_206 = arith.cmpi ne, %convert_element_type3A_204, %cond3A_205 : i32
      scf.if %cond3A_206 {
        %add3A_396 = arith.constant 8 : i32
        %add3A_397 = arith.addi %add3A_31, %add3A_396 : i32
        %dma_start3A_398 = arith.constant 0 : i32
        %dma_start3A_399 = arith.constant 0 : i32
        %dma_start3A_400 = tpu.memref_slice %arg6[%sub3A_28, %dma_start3A_398, %dma_start3A_399] : memref<2x8x51xi32, #tpu.memory_space<vmem>> -> memref<1x8x51xi32, #tpu.memory_space<vmem>>
        %dma_start3A_401 = tpu.memref_squeeze %dma_start3A_400 : memref<1x8x51xi32, #tpu.memory_space<vmem>> -> memref<8x51xi32, #tpu.memory_space<vmem>>
        %dma_start3A_402 = arith.constant 0 : i32
        %dma_start3A_403 = tpu.memref_slice %arg3[%add3A_397, %dma_start3A_402] : memref<16384x51xi32, #tpu.memory_space<hbm>> -> memref<8x51xi32, #tpu.memory_space<hbm>>
        %dma_start3A_404 = arith.constant 0 : i32
        %dma_start3A_405 = arith.constant 0 : i32
        %dma_start3A_406 = tpu.memref_slice %arg6[%sub3A_28, %dma_start3A_404, %dma_start3A_405] : memref<2x8x51xi32, #tpu.memory_space<vmem>> -> memref<1x8x51xi32, #tpu.memory_space<vmem>>
        %dma_start3A_407 = tpu.memref_squeeze %dma_start3A_406 : memref<1x8x51xi32, #tpu.memory_space<vmem>> -> memref<8x51xi32, #tpu.memory_space<vmem>>
        %dma_start3A_408 = arith.constant 0 : i32
        %dma_start3A_409 = tpu.memref_slice %arg3[%add3A_397, %dma_start3A_408] : memref<16384x51xi32, #tpu.memory_space<hbm>> -> memref<8x51xi32, #tpu.memory_space<hbm>>
        tpu.enqueue_dma source(%dma_start3A_409 : memref<8x51xi32, #tpu.memory_space<hbm>>) target(%dma_start3A_407 : memref<8x51xi32, #tpu.memory_space<vmem>>) target_semaphore(%arg8 : memref<!tpu.dma_semaphore, #tpu.memory_space<semaphore_mem>>)
      } else {
      }
      %ge3A_207 = arith.constant 1 : i32
      %ge3A_208 = arith.cmpi sge, %scan3A_26, %ge3A_207 : i32
      %convert_element_type3A_209 = arith.extui %ge3A_208 : i1 to i32
      %cond3A_210 = arith.constant 0 : i32
      %cond3A_211 = arith.cmpi ne, %convert_element_type3A_209, %cond3A_210 : i32
      scf.if %cond3A_211 {
        %dma_wait3A_396 = arith.constant 0 : i32
        %dma_wait3A_397 = arith.constant 0 : i32
        %dma_wait3A_398 = arith.constant 0 : i32
        %dma_wait3A_399 = tpu.memref_slice %arg7[%sub3A_28, %dma_wait3A_396, %dma_wait3A_397, %dma_wait3A_398] : memref<2x8x51x64xf32, #tpu.memory_space<vmem>> -> memref<1x8x51x64xf32, #tpu.memory_space<vmem>>
        %dma_wait3A_400 = tpu.memref_squeeze %dma_wait3A_399 : memref<1x8x51x64xf32, #tpu.memory_space<vmem>> -> memref<8x51x64xf32, #tpu.memory_space<vmem>>
        %dma_wait3A_401 = arith.constant 0 : i32
        %dma_wait3A_402 = arith.constant 0 : i32
        %dma_wait3A_403 = tpu.memref_slice %arg4[%mul3A_2, %dma_wait3A_401, %dma_wait3A_402] : memref<16384x51x64xf32, #tpu.memory_space<hbm>> -> memref<8x51x64xf32, #tpu.memory_space<hbm>>
        %dma_wait3A_404 = arith.constant 0 : i32
        %dma_wait3A_405 = arith.constant 0 : i32
        %dma_wait3A_406 = tpu.memref_slice %arg4[%mul3A_2, %dma_wait3A_404, %dma_wait3A_405] : memref<16384x51x64xf32, #tpu.memory_space<hbm>> -> memref<8x51x64xf32, #tpu.memory_space<hbm>>
        %dma_wait3A_407 = arith.constant 0 : i32
        %dma_wait3A_408 = arith.constant 0 : i32
        %dma_wait3A_409 = arith.constant 0 : i32
        %dma_wait3A_410 = tpu.memref_slice %arg7[%sub3A_28, %dma_wait3A_407, %dma_wait3A_408, %dma_wait3A_409] : memref<2x8x51x64xf32, #tpu.memory_space<vmem>> -> memref<1x8x51x64xf32, #tpu.memory_space<vmem>>
        %dma_wait3A_411 = tpu.memref_squeeze %dma_wait3A_410 : memref<1x8x51x64xf32, #tpu.memory_space<vmem>> -> memref<8x51x64xf32, #tpu.memory_space<vmem>>
        tpu.wait_dma2 semaphore(%arg10 : memref<!tpu.dma_semaphore, #tpu.memory_space<semaphore_mem>>) src(%dma_wait3A_411 : memref<8x51x64xf32, #tpu.memory_space<vmem>>) dst(%dma_wait3A_406 : memref<8x51x64xf32, #tpu.memory_space<hbm>>)
      } else {
      }
      %dma_wait3A_212 = arith.constant 0 : i32
      %dma_wait3A_213 = arith.constant 0 : i32
      %dma_wait3A_214 = arith.constant 0 : i32
      %dma_wait3A_215 = arith.constant 0 : i32
      %dma_wait3A_216 = arith.constant 0 : i32
      %dma_wait3A_217 = tpu.memref_slice %arg7[%rem3A_27, %dma_wait3A_214, %dma_wait3A_215, %dma_wait3A_216] : memref<2x8x51x64xf32, #tpu.memory_space<vmem>> -> memref<1x8x51x64xf32, #tpu.memory_space<vmem>>
      %dma_wait3A_218 = tpu.memref_squeeze %dma_wait3A_217 : memref<1x8x51x64xf32, #tpu.memory_space<vmem>> -> memref<8x51x64xf32, #tpu.memory_space<vmem>>
      %dma_wait3A_219 = arith.constant 0 : i32
      %dma_wait3A_220 = arith.constant 0 : i32
      %dma_wait3A_221 = tpu.memref_slice %dma_wait3A_218[%dma_wait3A_213, %dma_wait3A_219, %dma_wait3A_220] : memref<8x51x64xf32, #tpu.memory_space<vmem>> -> memref<1x51x64xf32, #tpu.memory_space<vmem>>
      %dma_wait3A_222 = tpu.memref_squeeze %dma_wait3A_221 : memref<1x51x64xf32, #tpu.memory_space<vmem>> -> memref<51x64xf32, #tpu.memory_space<vmem>>
      %dma_wait3A_223 = arith.constant 0 : i32
      %dma_wait3A_224 = arith.constant 0 : i32
      %dma_wait3A_225 = tpu.memref_slice %arg6[%rem3A_27, %dma_wait3A_223, %dma_wait3A_224] : memref<2x8x51xi32, #tpu.memory_space<vmem>> -> memref<1x8x51xi32, #tpu.memory_space<vmem>>
      %dma_wait3A_226 = tpu.memref_squeeze %dma_wait3A_225 : memref<1x8x51xi32, #tpu.memory_space<vmem>> -> memref<8x51xi32, #tpu.memory_space<vmem>>
      %dma_wait3A_227 = arith.constant 0 : i32
      %dma_wait3A_228 = tpu.memref_slice %dma_wait3A_226[%dma_wait3A_212, %dma_wait3A_227] : memref<8x51xi32, #tpu.memory_space<vmem>> -> memref<1x51xi32, #tpu.memory_space<vmem>>
      %dma_wait3A_229 = tpu.memref_squeeze %dma_wait3A_228 : memref<1x51xi32, #tpu.memory_space<vmem>> -> memref<51xi32, #tpu.memory_space<vmem>>
      %dma_wait3A_230 = arith.constant 0 : i32
      %dma_wait3A_231 = arith.constant 0 : i32
      %dma_wait3A_232 = tpu.memref_slice %arg5[%dma_wait3A_230, %dma_wait3A_231] : memref<1012x64xf32, #tpu.memory_space<vmem_shared>> -> memref<1012x64xf32, #tpu.memory_space<vmem_shared>>
      tpu.wait_indirect_dma semaphore(%arg9 : memref<!tpu.dma_semaphore, #tpu.memory_space<semaphore_mem>>) src(%dma_wait3A_232 : memref<1012x64xf32, #tpu.memory_space<vmem_shared>>) dst(%dma_wait3A_222 : memref<51x64xf32, #tpu.memory_space<vmem>>)
      %dma_wait3A_233 = arith.constant 1 : i32
      %dma_wait3A_234 = arith.constant 1 : i32
      %dma_wait3A_235 = arith.constant 0 : i32
      %dma_wait3A_236 = arith.constant 0 : i32
      %dma_wait3A_237 = arith.constant 0 : i32
      %dma_wait3A_238 = tpu.memref_slice %arg7[%rem3A_27, %dma_wait3A_235, %dma_wait3A_236, %dma_wait3A_237] : memref<2x8x51x64xf32, #tpu.memory_space<vmem>> -> memref<1x8x51x64xf32, #tpu.memory_space<vmem>>
      %dma_wait3A_239 = tpu.memref_squeeze %dma_wait3A_238 : memref<1x8x51x64xf32, #tpu.memory_space<vmem>> -> memref<8x51x64xf32, #tpu.memory_space<vmem>>
      %dma_wait3A_240 = arith.constant 0 : i32
      %dma_wait3A_241 = arith.constant 0 : i32
      %dma_wait3A_242 = tpu.memref_slice %dma_wait3A_239[%dma_wait3A_234, %dma_wait3A_240, %dma_wait3A_241] : memref<8x51x64xf32, #tpu.memory_space<vmem>> -> memref<1x51x64xf32, #tpu.memory_space<vmem>>
      %dma_wait3A_243 = tpu.memref_squeeze %dma_wait3A_242 : memref<1x51x64xf32, #tpu.memory_space<vmem>> -> memref<51x64xf32, #tpu.memory_space<vmem>>
      %dma_wait3A_244 = arith.constant 0 : i32
      %dma_wait3A_245 = arith.constant 0 : i32
      %dma_wait3A_246 = tpu.memref_slice %arg6[%rem3A_27, %dma_wait3A_244, %dma_wait3A_245] : memref<2x8x51xi32, #tpu.memory_space<vmem>> -> memref<1x8x51xi32, #tpu.memory_space<vmem>>
      %dma_wait3A_247 = tpu.memref_squeeze %dma_wait3A_246 : memref<1x8x51xi32, #tpu.memory_space<vmem>> -> memref<8x51xi32, #tpu.memory_space<vmem>>
      %dma_wait3A_248 = arith.constant 0 : i32
      %dma_wait3A_249 = tpu.memref_slice %dma_wait3A_247[%dma_wait3A_233, %dma_wait3A_248] : memref<8x51xi32, #tpu.memory_space<vmem>> -> memref<1x51xi32, #tpu.memory_space<vmem>>
      %dma_wait3A_250 = tpu.memref_squeeze %dma_wait3A_249 : memref<1x51xi32, #tpu.memory_space<vmem>> -> memref<51xi32, #tpu.memory_space<vmem>>
      %dma_wait3A_251 = arith.constant 0 : i32
      %dma_wait3A_252 = arith.constant 0 : i32
      %dma_wait3A_253 = tpu.memref_slice %arg5[%dma_wait3A_251, %dma_wait3A_252] : memref<1012x64xf32, #tpu.memory_space<vmem_shared>> -> memref<1012x64xf32, #tpu.memory_space<vmem_shared>>
      tpu.wait_indirect_dma semaphore(%arg9 : memref<!tpu.dma_semaphore, #tpu.memory_space<semaphore_mem>>) src(%dma_wait3A_253 : memref<1012x64xf32, #tpu.memory_space<vmem_shared>>) dst(%dma_wait3A_243 : memref<51x64xf32, #tpu.memory_space<vmem>>)
      %dma_wait3A_254 = arith.constant 2 : i32
      %dma_wait3A_255 = arith.constant 2 : i32
      %dma_wait3A_256 = arith.constant 0 : i32
      %dma_wait3A_257 = arith.constant 0 : i32
      %dma_wait3A_258 = arith.constant 0 : i32
      %dma_wait3A_259 = tpu.memref_slice %arg7[%rem3A_27, %dma_wait3A_256, %dma_wait3A_257, %dma_wait3A_258] : memref<2x8x51x64xf32, #tpu.memory_space<vmem>> -> memref<1x8x51x64xf32, #tpu.memory_space<vmem>>
      %dma_wait3A_260 = tpu.memref_squeeze %dma_wait3A_259 : memref<1x8x51x64xf32, #tpu.memory_space<vmem>> -> memref<8x51x64xf32, #tpu.memory_space<vmem>>
      %dma_wait3A_261 = arith.constant 0 : i32
      %dma_wait3A_262 = arith.constant 0 : i32
      %dma_wait3A_263 = tpu.memref_slice %dma_wait3A_260[%dma_wait3A_255, %dma_wait3A_261, %dma_wait3A_262] : memref<8x51x64xf32, #tpu.memory_space<vmem>> -> memref<1x51x64xf32, #tpu.memory_space<vmem>>
      %dma_wait3A_264 = tpu.memref_squeeze %dma_wait3A_263 : memref<1x51x64xf32, #tpu.memory_space<vmem>> -> memref<51x64xf32, #tpu.memory_space<vmem>>
      %dma_wait3A_265 = arith.constant 0 : i32
      %dma_wait3A_266 = arith.constant 0 : i32
      %dma_wait3A_267 = tpu.memref_slice %arg6[%rem3A_27, %dma_wait3A_265, %dma_wait3A_266] : memref<2x8x51xi32, #tpu.memory_space<vmem>> -> memref<1x8x51xi32, #tpu.memory_space<vmem>>
      %dma_wait3A_268 = tpu.memref_squeeze %dma_wait3A_267 : memref<1x8x51xi32, #tpu.memory_space<vmem>> -> memref<8x51xi32, #tpu.memory_space<vmem>>
      %dma_wait3A_269 = arith.constant 0 : i32
      %dma_wait3A_270 = tpu.memref_slice %dma_wait3A_268[%dma_wait3A_254, %dma_wait3A_269] : memref<8x51xi32, #tpu.memory_space<vmem>> -> memref<1x51xi32, #tpu.memory_space<vmem>>
      %dma_wait3A_271 = tpu.memref_squeeze %dma_wait3A_270 : memref<1x51xi32, #tpu.memory_space<vmem>> -> memref<51xi32, #tpu.memory_space<vmem>>
      %dma_wait3A_272 = arith.constant 0 : i32
      %dma_wait3A_273 = arith.constant 0 : i32
      %dma_wait3A_274 = tpu.memref_slice %arg5[%dma_wait3A_272, %dma_wait3A_273] : memref<1012x64xf32, #tpu.memory_space<vmem_shared>> -> memref<1012x64xf32, #tpu.memory_space<vmem_shared>>
      tpu.wait_indirect_dma semaphore(%arg9 : memref<!tpu.dma_semaphore, #tpu.memory_space<semaphore_mem>>) src(%dma_wait3A_274 : memref<1012x64xf32, #tpu.memory_space<vmem_shared>>) dst(%dma_wait3A_264 : memref<51x64xf32, #tpu.memory_space<vmem>>)
      %dma_wait3A_275 = arith.constant 3 : i32
      %dma_wait3A_276 = arith.constant 3 : i32
      %dma_wait3A_277 = arith.constant 0 : i32
      %dma_wait3A_278 = arith.constant 0 : i32
      %dma_wait3A_279 = arith.constant 0 : i32
      %dma_wait3A_280 = tpu.memref_slice %arg7[%rem3A_27, %dma_wait3A_277, %dma_wait3A_278, %dma_wait3A_279] : memref<2x8x51x64xf32, #tpu.memory_space<vmem>> -> memref<1x8x51x64xf32, #tpu.memory_space<vmem>>
      %dma_wait3A_281 = tpu.memref_squeeze %dma_wait3A_280 : memref<1x8x51x64xf32, #tpu.memory_space<vmem>> -> memref<8x51x64xf32, #tpu.memory_space<vmem>>
      %dma_wait3A_282 = arith.constant 0 : i32
      %dma_wait3A_283 = arith.constant 0 : i32
      %dma_wait3A_284 = tpu.memref_slice %dma_wait3A_281[%dma_wait3A_276, %dma_wait3A_282, %dma_wait3A_283] : memref<8x51x64xf32, #tpu.memory_space<vmem>> -> memref<1x51x64xf32, #tpu.memory_space<vmem>>
      %dma_wait3A_285 = tpu.memref_squeeze %dma_wait3A_284 : memref<1x51x64xf32, #tpu.memory_space<vmem>> -> memref<51x64xf32, #tpu.memory_space<vmem>>
      %dma_wait3A_286 = arith.constant 0 : i32
      %dma_wait3A_287 = arith.constant 0 : i32
      %dma_wait3A_288 = tpu.memref_slice %arg6[%rem3A_27, %dma_wait3A_286, %dma_wait3A_287] : memref<2x8x51xi32, #tpu.memory_space<vmem>> -> memref<1x8x51xi32, #tpu.memory_space<vmem>>
      %dma_wait3A_289 = tpu.memref_squeeze %dma_wait3A_288 : memref<1x8x51xi32, #tpu.memory_space<vmem>> -> memref<8x51xi32, #tpu.memory_space<vmem>>
      %dma_wait3A_290 = arith.constant 0 : i32
      %dma_wait3A_291 = tpu.memref_slice %dma_wait3A_289[%dma_wait3A_275, %dma_wait3A_290] : memref<8x51xi32, #tpu.memory_space<vmem>> -> memref<1x51xi32, #tpu.memory_space<vmem>>
      %dma_wait3A_292 = tpu.memref_squeeze %dma_wait3A_291 : memref<1x51xi32, #tpu.memory_space<vmem>> -> memref<51xi32, #tpu.memory_space<vmem>>
      %dma_wait3A_293 = arith.constant 0 : i32
      %dma_wait3A_294 = arith.constant 0 : i32
      %dma_wait3A_295 = tpu.memref_slice %arg5[%dma_wait3A_293, %dma_wait3A_294] : memref<1012x64xf32, #tpu.memory_space<vmem_shared>> -> memref<1012x64xf32, #tpu.memory_space<vmem_shared>>
      tpu.wait_indirect_dma semaphore(%arg9 : memref<!tpu.dma_semaphore, #tpu.memory_space<semaphore_mem>>) src(%dma_wait3A_295 : memref<1012x64xf32, #tpu.memory_space<vmem_shared>>) dst(%dma_wait3A_285 : memref<51x64xf32, #tpu.memory_space<vmem>>)
      %dma_wait3A_296 = arith.constant 4 : i32
      %dma_wait3A_297 = arith.constant 4 : i32
      %dma_wait3A_298 = arith.constant 0 : i32
      %dma_wait3A_299 = arith.constant 0 : i32
      %dma_wait3A_300 = arith.constant 0 : i32
      %dma_wait3A_301 = tpu.memref_slice %arg7[%rem3A_27, %dma_wait3A_298, %dma_wait3A_299, %dma_wait3A_300] : memref<2x8x51x64xf32, #tpu.memory_space<vmem>> -> memref<1x8x51x64xf32, #tpu.memory_space<vmem>>
      %dma_wait3A_302 = tpu.memref_squeeze %dma_wait3A_301 : memref<1x8x51x64xf32, #tpu.memory_space<vmem>> -> memref<8x51x64xf32, #tpu.memory_space<vmem>>
      %dma_wait3A_303 = arith.constant 0 : i32
      %dma_wait3A_304 = arith.constant 0 : i32
      %dma_wait3A_305 = tpu.memref_slice %dma_wait3A_302[%dma_wait3A_297, %dma_wait3A_303, %dma_wait3A_304] : memref<8x51x64xf32, #tpu.memory_space<vmem>> -> memref<1x51x64xf32, #tpu.memory_space<vmem>>
      %dma_wait3A_306 = tpu.memref_squeeze %dma_wait3A_305 : memref<1x51x64xf32, #tpu.memory_space<vmem>> -> memref<51x64xf32, #tpu.memory_space<vmem>>
      %dma_wait3A_307 = arith.constant 0 : i32
      %dma_wait3A_308 = arith.constant 0 : i32
      %dma_wait3A_309 = tpu.memref_slice %arg6[%rem3A_27, %dma_wait3A_307, %dma_wait3A_308] : memref<2x8x51xi32, #tpu.memory_space<vmem>> -> memref<1x8x51xi32, #tpu.memory_space<vmem>>
      %dma_wait3A_310 = tpu.memref_squeeze %dma_wait3A_309 : memref<1x8x51xi32, #tpu.memory_space<vmem>> -> memref<8x51xi32, #tpu.memory_space<vmem>>
      %dma_wait3A_311 = arith.constant 0 : i32
      %dma_wait3A_312 = tpu.memref_slice %dma_wait3A_310[%dma_wait3A_296, %dma_wait3A_311] : memref<8x51xi32, #tpu.memory_space<vmem>> -> memref<1x51xi32, #tpu.memory_space<vmem>>
      %dma_wait3A_313 = tpu.memref_squeeze %dma_wait3A_312 : memref<1x51xi32, #tpu.memory_space<vmem>> -> memref<51xi32, #tpu.memory_space<vmem>>
      %dma_wait3A_314 = arith.constant 0 : i32
      %dma_wait3A_315 = arith.constant 0 : i32
      %dma_wait3A_316 = tpu.memref_slice %arg5[%dma_wait3A_314, %dma_wait3A_315] : memref<1012x64xf32, #tpu.memory_space<vmem_shared>> -> memref<1012x64xf32, #tpu.memory_space<vmem_shared>>
      tpu.wait_indirect_dma semaphore(%arg9 : memref<!tpu.dma_semaphore, #tpu.memory_space<semaphore_mem>>) src(%dma_wait3A_316 : memref<1012x64xf32, #tpu.memory_space<vmem_shared>>) dst(%dma_wait3A_306 : memref<51x64xf32, #tpu.memory_space<vmem>>)
      %dma_wait3A_317 = arith.constant 5 : i32
      %dma_wait3A_318 = arith.constant 5 : i32
      %dma_wait3A_319 = arith.constant 0 : i32
      %dma_wait3A_320 = arith.constant 0 : i32
      %dma_wait3A_321 = arith.constant 0 : i32
      %dma_wait3A_322 = tpu.memref_slice %arg7[%rem3A_27, %dma_wait3A_319, %dma_wait3A_320, %dma_wait3A_321] : memref<2x8x51x64xf32, #tpu.memory_space<vmem>> -> memref<1x8x51x64xf32, #tpu.memory_space<vmem>>
      %dma_wait3A_323 = tpu.memref_squeeze %dma_wait3A_322 : memref<1x8x51x64xf32, #tpu.memory_space<vmem>> -> memref<8x51x64xf32, #tpu.memory_space<vmem>>
      %dma_wait3A_324 = arith.constant 0 : i32
      %dma_wait3A_325 = arith.constant 0 : i32
      %dma_wait3A_326 = tpu.memref_slice %dma_wait3A_323[%dma_wait3A_318, %dma_wait3A_324, %dma_wait3A_325] : memref<8x51x64xf32, #tpu.memory_space<vmem>> -> memref<1x51x64xf32, #tpu.memory_space<vmem>>
      %dma_wait3A_327 = tpu.memref_squeeze %dma_wait3A_326 : memref<1x51x64xf32, #tpu.memory_space<vmem>> -> memref<51x64xf32, #tpu.memory_space<vmem>>
      %dma_wait3A_328 = arith.constant 0 : i32
      %dma_wait3A_329 = arith.constant 0 : i32
      %dma_wait3A_330 = tpu.memref_slice %arg6[%rem3A_27, %dma_wait3A_328, %dma_wait3A_329] : memref<2x8x51xi32, #tpu.memory_space<vmem>> -> memref<1x8x51xi32, #tpu.memory_space<vmem>>
      %dma_wait3A_331 = tpu.memref_squeeze %dma_wait3A_330 : memref<1x8x51xi32, #tpu.memory_space<vmem>> -> memref<8x51xi32, #tpu.memory_space<vmem>>
      %dma_wait3A_332 = arith.constant 0 : i32
      %dma_wait3A_333 = tpu.memref_slice %dma_wait3A_331[%dma_wait3A_317, %dma_wait3A_332] : memref<8x51xi32, #tpu.memory_space<vmem>> -> memref<1x51xi32, #tpu.memory_space<vmem>>
      %dma_wait3A_334 = tpu.memref_squeeze %dma_wait3A_333 : memref<1x51xi32, #tpu.memory_space<vmem>> -> memref<51xi32, #tpu.memory_space<vmem>>
      %dma_wait3A_335 = arith.constant 0 : i32
      %dma_wait3A_336 = arith.constant 0 : i32
      %dma_wait3A_337 = tpu.memref_slice %arg5[%dma_wait3A_335, %dma_wait3A_336] : memref<1012x64xf32, #tpu.memory_space<vmem_shared>> -> memref<1012x64xf32, #tpu.memory_space<vmem_shared>>
      tpu.wait_indirect_dma semaphore(%arg9 : memref<!tpu.dma_semaphore, #tpu.memory_space<semaphore_mem>>) src(%dma_wait3A_337 : memref<1012x64xf32, #tpu.memory_space<vmem_shared>>) dst(%dma_wait3A_327 : memref<51x64xf32, #tpu.memory_space<vmem>>)
      %dma_wait3A_338 = arith.constant 6 : i32
      %dma_wait3A_339 = arith.constant 6 : i32
      %dma_wait3A_340 = arith.constant 0 : i32
      %dma_wait3A_341 = arith.constant 0 : i32
      %dma_wait3A_342 = arith.constant 0 : i32
      %dma_wait3A_343 = tpu.memref_slice %arg7[%rem3A_27, %dma_wait3A_340, %dma_wait3A_341, %dma_wait3A_342] : memref<2x8x51x64xf32, #tpu.memory_space<vmem>> -> memref<1x8x51x64xf32, #tpu.memory_space<vmem>>
      %dma_wait3A_344 = tpu.memref_squeeze %dma_wait3A_343 : memref<1x8x51x64xf32, #tpu.memory_space<vmem>> -> memref<8x51x64xf32, #tpu.memory_space<vmem>>
      %dma_wait3A_345 = arith.constant 0 : i32
      %dma_wait3A_346 = arith.constant 0 : i32
      %dma_wait3A_347 = tpu.memref_slice %dma_wait3A_344[%dma_wait3A_339, %dma_wait3A_345, %dma_wait3A_346] : memref<8x51x64xf32, #tpu.memory_space<vmem>> -> memref<1x51x64xf32, #tpu.memory_space<vmem>>
      %dma_wait3A_348 = tpu.memref_squeeze %dma_wait3A_347 : memref<1x51x64xf32, #tpu.memory_space<vmem>> -> memref<51x64xf32, #tpu.memory_space<vmem>>
      %dma_wait3A_349 = arith.constant 0 : i32
      %dma_wait3A_350 = arith.constant 0 : i32
      %dma_wait3A_351 = tpu.memref_slice %arg6[%rem3A_27, %dma_wait3A_349, %dma_wait3A_350] : memref<2x8x51xi32, #tpu.memory_space<vmem>> -> memref<1x8x51xi32, #tpu.memory_space<vmem>>
      %dma_wait3A_352 = tpu.memref_squeeze %dma_wait3A_351 : memref<1x8x51xi32, #tpu.memory_space<vmem>> -> memref<8x51xi32, #tpu.memory_space<vmem>>
      %dma_wait3A_353 = arith.constant 0 : i32
      %dma_wait3A_354 = tpu.memref_slice %dma_wait3A_352[%dma_wait3A_338, %dma_wait3A_353] : memref<8x51xi32, #tpu.memory_space<vmem>> -> memref<1x51xi32, #tpu.memory_space<vmem>>
      %dma_wait3A_355 = tpu.memref_squeeze %dma_wait3A_354 : memref<1x51xi32, #tpu.memory_space<vmem>> -> memref<51xi32, #tpu.memory_space<vmem>>
      %dma_wait3A_356 = arith.constant 0 : i32
      %dma_wait3A_357 = arith.constant 0 : i32
      %dma_wait3A_358 = tpu.memref_slice %arg5[%dma_wait3A_356, %dma_wait3A_357] : memref<1012x64xf32, #tpu.memory_space<vmem_shared>> -> memref<1012x64xf32, #tpu.memory_space<vmem_shared>>
      tpu.wait_indirect_dma semaphore(%arg9 : memref<!tpu.dma_semaphore, #tpu.memory_space<semaphore_mem>>) src(%dma_wait3A_358 : memref<1012x64xf32, #tpu.memory_space<vmem_shared>>) dst(%dma_wait3A_348 : memref<51x64xf32, #tpu.memory_space<vmem>>)
      %dma_wait3A_359 = arith.constant 7 : i32
      %dma_wait3A_360 = arith.constant 7 : i32
      %dma_wait3A_361 = arith.constant 0 : i32
      %dma_wait3A_362 = arith.constant 0 : i32
      %dma_wait3A_363 = arith.constant 0 : i32
      %dma_wait3A_364 = tpu.memref_slice %arg7[%rem3A_27, %dma_wait3A_361, %dma_wait3A_362, %dma_wait3A_363] : memref<2x8x51x64xf32, #tpu.memory_space<vmem>> -> memref<1x8x51x64xf32, #tpu.memory_space<vmem>>
      %dma_wait3A_365 = tpu.memref_squeeze %dma_wait3A_364 : memref<1x8x51x64xf32, #tpu.memory_space<vmem>> -> memref<8x51x64xf32, #tpu.memory_space<vmem>>
      %dma_wait3A_366 = arith.constant 0 : i32
      %dma_wait3A_367 = arith.constant 0 : i32
      %dma_wait3A_368 = tpu.memref_slice %dma_wait3A_365[%dma_wait3A_360, %dma_wait3A_366, %dma_wait3A_367] : memref<8x51x64xf32, #tpu.memory_space<vmem>> -> memref<1x51x64xf32, #tpu.memory_space<vmem>>
      %dma_wait3A_369 = tpu.memref_squeeze %dma_wait3A_368 : memref<1x51x64xf32, #tpu.memory_space<vmem>> -> memref<51x64xf32, #tpu.memory_space<vmem>>
      %dma_wait3A_370 = arith.constant 0 : i32
      %dma_wait3A_371 = arith.constant 0 : i32
      %dma_wait3A_372 = tpu.memref_slice %arg6[%rem3A_27, %dma_wait3A_370, %dma_wait3A_371] : memref<2x8x51xi32, #tpu.memory_space<vmem>> -> memref<1x8x51xi32, #tpu.memory_space<vmem>>
      %dma_wait3A_373 = tpu.memref_squeeze %dma_wait3A_372 : memref<1x8x51xi32, #tpu.memory_space<vmem>> -> memref<8x51xi32, #tpu.memory_space<vmem>>
      %dma_wait3A_374 = arith.constant 0 : i32
      %dma_wait3A_375 = tpu.memref_slice %dma_wait3A_373[%dma_wait3A_359, %dma_wait3A_374] : memref<8x51xi32, #tpu.memory_space<vmem>> -> memref<1x51xi32, #tpu.memory_space<vmem>>
      %dma_wait3A_376 = tpu.memref_squeeze %dma_wait3A_375 : memref<1x51xi32, #tpu.memory_space<vmem>> -> memref<51xi32, #tpu.memory_space<vmem>>
      %dma_wait3A_377 = arith.constant 0 : i32
      %dma_wait3A_378 = arith.constant 0 : i32
      %dma_wait3A_379 = tpu.memref_slice %arg5[%dma_wait3A_377, %dma_wait3A_378] : memref<1012x64xf32, #tpu.memory_space<vmem_shared>> -> memref<1012x64xf32, #tpu.memory_space<vmem_shared>>
      tpu.wait_indirect_dma semaphore(%arg9 : memref<!tpu.dma_semaphore, #tpu.memory_space<semaphore_mem>>) src(%dma_wait3A_379 : memref<1012x64xf32, #tpu.memory_space<vmem_shared>>) dst(%dma_wait3A_369 : memref<51x64xf32, #tpu.memory_space<vmem>>)
      %dma_start3A_380 = arith.constant 0 : i32
      %dma_start3A_381 = arith.constant 0 : i32
      %dma_start3A_382 = arith.constant 0 : i32
      %dma_start3A_383 = tpu.memref_slice %arg7[%rem3A_27, %dma_start3A_380, %dma_start3A_381, %dma_start3A_382] : memref<2x8x51x64xf32, #tpu.memory_space<vmem>> -> memref<1x8x51x64xf32, #tpu.memory_space<vmem>>
      %dma_start3A_384 = tpu.memref_squeeze %dma_start3A_383 : memref<1x8x51x64xf32, #tpu.memory_space<vmem>> -> memref<8x51x64xf32, #tpu.memory_space<vmem>>
      %dma_start3A_385 = arith.constant 0 : i32
      %dma_start3A_386 = arith.constant 0 : i32
      %dma_start3A_387 = tpu.memref_slice %arg4[%add3A_31, %dma_start3A_385, %dma_start3A_386] : memref<16384x51x64xf32, #tpu.memory_space<hbm>> -> memref<8x51x64xf32, #tpu.memory_space<hbm>>
      %dma_start3A_388 = arith.constant 0 : i32
      %dma_start3A_389 = arith.constant 0 : i32
      %dma_start3A_390 = tpu.memref_slice %arg4[%add3A_31, %dma_start3A_388, %dma_start3A_389] : memref<16384x51x64xf32, #tpu.memory_space<hbm>> -> memref<8x51x64xf32, #tpu.memory_space<hbm>>
      %dma_start3A_391 = arith.constant 0 : i32
      %dma_start3A_392 = arith.constant 0 : i32
      %dma_start3A_393 = arith.constant 0 : i32
      %dma_start3A_394 = tpu.memref_slice %arg7[%rem3A_27, %dma_start3A_391, %dma_start3A_392, %dma_start3A_393] : memref<2x8x51x64xf32, #tpu.memory_space<vmem>> -> memref<1x8x51x64xf32, #tpu.memory_space<vmem>>
      %dma_start3A_395 = tpu.memref_squeeze %dma_start3A_394 : memref<1x8x51x64xf32, #tpu.memory_space<vmem>> -> memref<8x51x64xf32, #tpu.memory_space<vmem>>
      tpu.enqueue_dma source(%dma_start3A_395 : memref<8x51x64xf32, #tpu.memory_space<vmem>>) target(%dma_start3A_390 : memref<8x51x64xf32, #tpu.memory_space<hbm>>) target_semaphore(%arg10 : memref<!tpu.dma_semaphore, #tpu.memory_space<semaphore_mem>>)
    }
    %scan3A_9 = arith.constant 64 : i32
    %dma_wait3A = arith.constant 1 : i32
    %dma_wait3A_10 = arith.constant 0 : i32
    %dma_wait3A_11 = arith.constant 0 : i32
    %dma_wait3A_12 = arith.constant 0 : i32
    %dma_wait3A_13 = tpu.memref_slice %arg7[%dma_wait3A, %dma_wait3A_10, %dma_wait3A_11, %dma_wait3A_12] : memref<2x8x51x64xf32, #tpu.memory_space<vmem>> -> memref<1x8x51x64xf32, #tpu.memory_space<vmem>>
    %dma_wait3A_14 = tpu.memref_squeeze %dma_wait3A_13 : memref<1x8x51x64xf32, #tpu.memory_space<vmem>> -> memref<8x51x64xf32, #tpu.memory_space<vmem>>
    %dma_wait3A_15 = arith.constant 0 : i32
    %dma_wait3A_16 = arith.constant 0 : i32
    %dma_wait3A_17 = tpu.memref_slice %arg4[%mul3A_2, %dma_wait3A_15, %dma_wait3A_16] : memref<16384x51x64xf32, #tpu.memory_space<hbm>> -> memref<8x51x64xf32, #tpu.memory_space<hbm>>
    %dma_wait3A_18 = arith.constant 0 : i32
    %dma_wait3A_19 = arith.constant 0 : i32
    %dma_wait3A_20 = tpu.memref_slice %arg4[%mul3A_2, %dma_wait3A_18, %dma_wait3A_19] : memref<16384x51x64xf32, #tpu.memory_space<hbm>> -> memref<8x51x64xf32, #tpu.memory_space<hbm>>
    %dma_wait3A_21 = arith.constant 0 : i32
    %dma_wait3A_22 = arith.constant 0 : i32
    %dma_wait3A_23 = arith.constant 0 : i32
    %dma_wait3A_24 = tpu.memref_slice %arg7[%dma_wait3A, %dma_wait3A_21, %dma_wait3A_22, %dma_wait3A_23] : memref<2x8x51x64xf32, #tpu.memory_space<vmem>> -> memref<1x8x51x64xf32, #tpu.memory_space<vmem>>
    %dma_wait3A_25 = tpu.memref_squeeze %dma_wait3A_24 : memref<1x8x51x64xf32, #tpu.memory_space<vmem>> -> memref<8x51x64xf32, #tpu.memory_space<vmem>>
    tpu.wait_dma2 semaphore(%arg10 : memref<!tpu.dma_semaphore, #tpu.memory_space<semaphore_mem>>) src(%dma_wait3A_25 : memref<8x51x64xf32, #tpu.memory_space<vmem>>) dst(%dma_wait3A_20 : memref<8x51x64xf32, #tpu.memory_space<hbm>>)
    return
  }
}

</mosaic_0001>

<sc_bundles>
// kernel: kernel.3.cloned.1.call-start
scs
__scs_entry_jumppad:
0x0: {  	(pc) =	sbr.rel $0x88, $3  }
0x1: {  	(tag) =	ssettag $0x0;
	lr =	simm.s32 $0x1  }
0x2: {  	[smem:$0x3F9D] =	sst lr;
	_ =	strace $0xD0000000  }
0x3: {  	_ = 	snop  }
0x4: {  	_ = 	snop  }
0x5: {  	_ = 	snop  }
0x6: {  	_ = 	snop  }
0x7: {  	_ = 	snop  }
__scs_overlays_trampoline_lowered:
0x8: {  	[smem:$0x3FAC] =	sst s0  }
0x9: {  	[smem:$0x3FAD] =	sst s1  }
0xa: {  	[smem:$0x3FAE] =	sst s2  }
0xb: {  	[smem:$0x3FAF] =	sst s3  }
0xc: {  	[smem:$0x3FB0] =	sst s4  }
0xd: {  	[smem:$0x3FB1] =	sst s5  }
0xe: {  	[smem:$0x3FB2] =	sst s6  }
0xf: {  	[smem:$0x3FB3] =	sst s7  }
0x10: {  	[smem:$0x3FB4] =	sst s8  }
0x11: {  	[smem:$0x3FB5] =	sst s9;
	s0 =	simm.s32 @!p0 $0x0  }
0x12: {  	s1 =	sld [smem:$0x3F9B];
	s0 =	simm.s32 @p0 $0x1  }
0x13: {  	[smem:$0x3FB6] =	sst s0;
	s0 =	simm.s32 @!p1 $0x0  }
0x14: {  	s2 =	sld [smem:$0x3F9A];
	s0 =	simm.s32 @p1 $0x1  }
0x15: {  	[smem:$0x3FB7] =	sst s0;
	s0 =	simm.s32 @!p2 $0x0  }
0x16: {  	s3 =	sld [smem:$0x3FDB];
	s0 =	simm.s32 @p2 $0x1  }
0x17: {  	s4 =	simm.s32 $0x1BF5;
	[smem:$0x3FB9] =	sst s0  }
0x18: {  	s0 =	sld [smem:$0x3F9C];
	_ =	swait.ge [sflag:s4], $0x0  }
0x19: {  	s7 =	sld [smem:$0x3F9D]  }
0x1a: {  	s8 =	sadd.s32 $0xFFFFE003, lr  }
0x1b: {  	s9 =	sadd.s32 $0xFFFFFEF7, lr;
	s5 =	simm.s32 $0xFFFFFFFF;
	p2 =	slt.u32 s8, $0xFFFFF086  }
0x1c: {  	p1 =	slt.u32 s9, $0xF7A;
	s5 =	simm.s32 @!p2 $0x0  }
0x1d: {  	s5 =	simm.s32 @p1 $0x1;
	p0 =	seq.s32 s7, s2  }
0x1e: {  	s7 =	smul.u32 @!p0 $0xF7A, s2;
	p2 =	seq.s32 @!p0 s5, $0x0  }
0x1f: {  	s9 =	smul.u32 $0xF7A, s1;
	s8 =	simm.s32 @!p0 $0x1BF5;
	p2 =	por !p2, p0  }
0x20: {  	[sflag:s8] =	ssyncset.s32 @!p0 $0xFFFFF086;
	s6 =	sadd.s32 @!p0 s3, s7;
	s7 =	simm.s32 @!p0 $0x108  }
0x21: {  	s3 =	sadd.s32 s3, s9;
	s6 =	sadd.s32 @!p0 $0x88, s6;
	s7 =	simm.s32 @p2 $0x1082  }
0x22: {  	[simem:s7], [sflag:s8] =	dma.local @!p0 [hbm:s6], $0xF7A  }
0x23: {  	s9 =	sor.u32 $0xD0000000, s2;
	s6 =	simm.s32 $0x108;
	_ =	swait.ge @!p0 [sflag:s8], $0x0  }
0x24: {  	s3 =	sadd.s32 $0x88, s3;
	s6 =	simm.s32 @!p1 $0x1082;
	[sflag:s4] =	ssyncset.s32 $0xFFFFF086  }
0x25: {  	[simem:s6], [sflag:s4] =	dma.local [hbm:s3], $0xF7A  }
0x26: {  	[smem:$0x3F9D] =	sst s1;
	(tag) =	ssettag s2;
	_ =	strace s9  }
0x27: {  	s1 =	sld [smem:$0x3FAD]  }
0x28: {  	s2 =	sld [smem:$0x3FAE]  }
0x29: {  	s4 =	sld [smem:$0x3FB0]  }
0x2a: {  	p0 =	seq.s32 s5, $0x0;
	s5 =	sld [smem:$0x3FB1]  }
0x2b: {  	s6 =	sld [smem:$0x3FB2]  }
0x2c: {  	s7 =	sld [smem:$0x3FB3]  }
0x2d: {  	s3 =	simm.s32 $0x108;
	s8 =	sld [smem:$0x3FB4]  }
0x2e: {  	s3 =	simm.s32 @!p0 $0x1082;
	s9 =	sld [smem:$0x3FB5]  }
0x2f: {  	lr =	sadd.s32 s0, s3;
	s0 =	sld [smem:$0x3FAC]  }
0x30: {  	s3 =	sld [smem:$0x3FAF]  }
0x31: {  	[smem:$0x3FB8] =	sst s10  }
0x32: {  	s10 =	sld [smem:$0x3FB6];
	_ =	sdelay $0x3  }
0x33: {  	p0 =	seq.s32 s10, $0x1;
	s10 =	sld [smem:$0x3FB8];
	_ =	sdelay $0x3  }
0x34: {  	[smem:$0x3FB8] =	sst s10  }
0x35: {  	s10 =	sld [smem:$0x3FB7];
	_ =	sdelay $0x3  }
0x36: {  	p1 =	seq.s32 s10, $0x1;
	s10 =	sld [smem:$0x3FB8];
	_ =	sdelay $0x3  }
0x37: {  	[smem:$0x3FB8] =	sst s10  }
0x38: {  	s10 =	sld [smem:$0x3FB9]  }
0x39: {  	_ = 	snop;
	(pc) =	sbr.ind lr, $3  }
0x3a: {  	_ = 	snop  }
0x3b: {  	_ = 	snop  }
0x3c: {  	p2 =	seq.s32 s10, $0x1;
	s10 =	sld [smem:$0x3FB8]  }
0x3d: {  	_ =	shalt  }
0x3e: {  	_ =	shalt  }
0x3f: {  	_ =	shalt  }
0x40: {  	_ =	shalt  }
0x41: {  	_ =	shalt  }
0x42: {  	_ =	shalt  }
0x43: {  	_ =	shalt  }
0x44: {  	_ =	shalt  }
0x45: {  	_ =	shalt  }
0x46: {  	_ =	shalt  }
0x47: {  	_ =	shalt  }
0x48: {  	_ =	shalt  }
0x49: {  	_ =	shalt  }
0x4a: {  	_ =	shalt  }
0x4b: {  	_ =	shalt  }
0x4c: {  	_ =	shalt  }
0x4d: {  	_ =	shalt  }
0x4e: {  	_ =	shalt  }
0x4f: {  	_ =	shalt  }
0x50: {  	_ =	shalt  }
0x51: {  	_ =	shalt  }
0x52: {  	_ =	shalt  }
0x53: {  	_ =	shalt  }
0x54: {  	_ =	shalt  }
0x55: {  	_ =	shalt  }
0x56: {  	_ =	shalt  }
0x57: {  	_ =	shalt  }
0x58: {  	_ =	shalt  }
0x59: {  	_ =	shalt  }
0x5a: {  	_ =	shalt  }
0x5b: {  	_ =	shalt  }
0x5c: {  	_ =	shalt  }
0x5d: {  	_ =	shalt  }
0x5e: {  	_ =	shalt  }
0x5f: {  	_ =	shalt  }
0x60: {  	_ =	shalt  }
0x61: {  	_ =	shalt  }
0x62: {  	_ =	shalt  }
0x63: {  	_ =	shalt  }
0x64: {  	_ =	shalt  }
0x65: {  	_ =	shalt  }
0x66: {  	_ =	shalt  }
0x67: {  	_ =	shalt  }
0x68: {  	_ =	shalt  }
0x69: {  	_ =	shalt  }
0x6a: {  	_ =	shalt  }
0x6b: {  	_ =	shalt  }
0x6c: {  	_ =	shalt  }
0x6d: {  	_ =	shalt  }
0x6e: {  	_ =	shalt  }
0x6f: {  	_ =	shalt  }
0x70: {  	_ =	shalt  }
0x71: {  	_ =	shalt  }
0x72: {  	_ =	shalt  }
0x73: {  	_ =	shalt  }
0x74: {  	_ =	shalt  }
0x75: {  	_ =	shalt  }
0x76: {  	_ =	shalt  }
0x77: {  	_ =	shalt  }
0x78: {  	_ =	shalt  }
0x79: {  	_ =	shalt  }
0x7a: {  	_ =	shalt  }
0x7b: {  	_ =	shalt  }
0x7c: {  	_ =	shalt  }
0x7d: {  	_ =	shalt  }
0x7e: {  	_ =	shalt  }
0x7f: {  	_ =	shalt  }
0x80: {  	_ =	shalt  }
0x81: {  	_ =	shalt  }
0x82: {  	_ =	shalt  }
0x83: {  	_ =	shalt  }
0x84: {  	_ =	shalt  }
0x85: {  	_ =	shalt  }
0x86: {  	_ =	shalt  }
0x87: {  	_ =	shalt  }
.Lfunc_end0:
.L_simem_size_0:
called_computation.1_lowered:
.L_overlay_start_0:
0x88: {  	s2 =	sld [smem:$0x3FD9]  }
0x89: {  	s3 =	sld [smem:$0x3FFE];
	_ =	sdelay $0x1  }
0x8a: {  	s1 =	srdreg.scid  }
0x8b: {  	s0 =	sand.u32 $0x1, s1  }
0x8c: {  	s17 =	sshll.u32 s0, $0xA;
	s2 =	sadd.s32 s3, s2  }
0x8d: {  	s2 =	sadd.s32 s2, s17  }
0x8e: {  	[smem:$0x3FC4] =	sst s2  }
0x8f: {  	_ = 	snop  }
0x90: {  	s2 =	sld [smem:$0x3FD0];
	(tm) =	ssettm $0x1  }
0x91: {  	s18 =	sld [smem:$0x3FFB];
	_ =	sdelay $0x3  }
0x92: {  	_ =	strace s18  }
0x93: {  	s3 =	sld [smem:$0x3FFC];
	_ =	sdelay $0x3  }
0x94: {  	_ =	strace s3  }
0x95: {  	s3 =	sld [smem:$0x3FFD];
	_ =	sdelay $0x3  }
0x96: {  	_ =	strace s3  }
0x97: {  	_ =	strace $0x8FFFFFFF  }
0x98: {  	s19 =	sld [smem:$0x3FDB];
	_ =	sdelay $0x1  }
0x99: {  	s4 =	simm.s32 $_scs_section_size  }
0x9a: {  	s5 =	simm.s32 $_size__tile_overlayer_lowered;
	s6 =	simm.s32 $_tile_overlayer_lowered  }
0x9b: {  	s22 =	simm.s32 $0x1BFF;
	s21 =	sshll.u32 s6, $0x1;
	s3 =	sadd.s32 s4, s19  }
0x9c: {  	s7 =	simm.s32 $0x0;
	s20 =	sshll.u32 s5, $0x1;
	s5 =	sadd.s32 s21, s3  }
0x9d: {  	[timem:s7], [sflag:s22] =	dma.local [hbm:s5], s20  }
0x9e: {  	_ =	swait.ge [sflag:s22], s20  }
0x9f: {  	s4 =	ssub.s32 $0x0, s20;
	[sflag:s22] =	ssyncset.done $0x0  }
0xa0: {  	[sflag:s22] =	ssyncadd.s32 s4;
	_ =	sdelay $0x1  }
0xa1: {  	s23 =	simm.s32 $0x1B8B  }
0xa2: {  	_ =	swait.ge [sflag:s23], $0x1  }
0xa3: {  	[sflag:s23] =	ssyncset.done $0x0  }
0xa4: {  	s25 =	simm.s32 $0x1B8E;
	s24 =	sld [smem:$0x3FFE];
	[sflag:s23] =	ssyncadd.s32 $0xFFFFFFFF  }
0xa5: {  	s26 =	simm.s32 $execute0_lowered;
	[smem:$0x3FD2] =	sst s25  }
0xa6: {  	s5 =	sshll.u32 s26, $0x1;
	_ =	strace $0x80000046;
	[dreg:$0x1] =	wrdreg $0xFFFFFFFF  }
0xa7: {  	s28 =	simm.s32 $_size_execute0_lowered;
	s3 =	sadd.s32 s3, s5;
	[dreg:$0x0] =	wrdreg $0x0  }
0xa8: {  	s5 =	sshll.u32 s28, $0x1;
	[dreg:$0x2] =	wrdreg s3  }
0xa9: {  	[dreg:$0x3] =	wrdreg s5  }
0xaa: {  	[dreg:$0x4] =	wrdreg $0xC0  }
0xab: {  	_ =	task [dreg:s7], $0x5FFFF  }
0xac: {  	[dreg:$0x1] =	wrdreg $0xFFFFFFFF  }
0xad: {  	[dreg:$0x0] =	wrdreg $0x60  }
0xae: {  	[dreg:$0x2] =	wrdreg s24  }
0xaf: {  	[dreg:$0x3] =	wrdreg s2  }
0xb0: {  	[dreg:$0x4] =	wrdreg $0x0  }
0xb1: {  	[dreg:$0x5] =	wrdreg $0x9  }
0xb2: {  	_ =	task.clear_ibuf [dreg:s7], $0x6FFFF;
	_ =	strace $0x90000046  }
0xb3: {  	s29 =	simm.s32 $0x9;
	_ =	strace $0x80000048  }
0xb4: {  	_ =	swait.ge [sflag:s29], $0x1  }
0xb5: {  	[sflag:s29] =	ssyncadd.s32 $0xFFFFFFFF  }
0xb6: {  	_ =	strace $0x90000048  }
0xb7: {  	_ =	sfence  }
0xb8: {  	s30 =	sld [smem:$0x0];
	_ =	sdelay $0x2  }
0xb9: {  	s31 =	sshll.u32 s1, $0xD;
	s1 =	sshrl.u32 s1, $0x2  }
0xba: {  	s3 =	sand.u32 $0x4000, s31;
	s1 =	sadd.s32 s1, s30  }
0xbb: {  	s0 =	sor.u32 s3, s0;
	s1 =	sshll.u32 s1, $0x11  }
0xbc: {  	s0 =	sor.u32 s1, s0  }
0xbd: {  	s0 =	sadd.s32 $0x8F2B, s0  }
0xbe: {  	[sflag:s0] =	ssyncadd.remote.s32 $0x1  }
0xbf: {  	_ =	sfence.sel $0xFFFF  }
0xc0: {  	[dreg:$0x0] =	wrdreg $0xFFFFFFFF;
	(pc) =	sbr.abs _section_cstart, $3  }
0xc1: {  	[dreg:$0x1] =	wrdreg $0xFFFFFFFF  }
0xc2: {  	_ =	task.clear_ibuf [dreg:s7], $0x2FFFF;
	_ =	strace $0x9FFFFFFF  }
0xc3: {  	(tm) =	ssettm $0x7FFFFFFF  }
tec
execute0_lowered:
.L_overlay_start_1:
0x0: {  	(tag) =	ssettag $0x1  }
0x1: {  	s0 =	rddreg [dreg:$0x0];
	s1 =	srdreg.scid  }
0x2: {  	s8 =	rddreg [dreg:$0x1];
	s10 =	stileid.u32;
	s2 =	simm.s32 $0x0  }
0x3: {  	s14 =	simm.s32 $0x33;
	s15 =	simm.s32 $0x1350;
	s31 =	simm.s32 $0x1190  }
0x4: {  	s16 =	simm.s32 $0x1;
	s17 =	simm.s32 $0x3;
	s18 =	simm.s32 $0x7950  }
0x5: {  	s22 =	simm.s32 $0x0;
	s7 =	sand.u32 $0x1, s1;
	s1 =	rddreg [dreg:$0x2]  }
0x6: {  	s3 =	sshll.u32 s10, $0xA;
	[smem:$0x7FF] =	sst s2;
	s11 =	smul.u32 $0xE000, s10  }
0x7: {  	s23 =	sadd.s32 $0x800, s0;
	s0 =	sadd.s32 $0x2800, s0;
	s13 =	smul.u32 $0x66000, s10  }
0x8: {  	p0 =	sne.s32 s10, $0x0;
	s4 =	sshll.u32 s7, $0x9;
	_ =	strace $0x80000047  }
0x9: {  	s5 =	ssub.s32 $0x2, s7;
	[dreg:$0x4] =	wrdreg s23;
	s12 =	smul.u32 $0x7000, s7  }
0xa: {  	s26 =	smul.u32 $0x33000, s7;
	s3 =	sor.u32 s4, s3;
	s6 =	sshrl.u32 s5, $0x1  }
0xb: {  	s30 =	sadd.s32 s13, s8;
	s13 =	simm.s32 $0x4;
	s4 =	smul.u32 $0x7, s3  }
0xc: {  	s9 =	smul.u32 $0x198, s3;
	s5 =	ssub.s32 s5, s6;
	s11 =	sadd.s32 s12, s11  }
0xd: {  	s12 =	simm.s32 $0xFD0;
	s24 =	smax.u32 s5, $0x1;
	s28 =	sor.u32 $0x380, s11  }
0xe: {  	s11 =	sadd.s32 s26, s30;
	s4 =	sadd.s32 s0, s4;
	[dreg:$0x5] =	wrdreg s24  }
0xf: {  	s7 =	sadd.s32 s8, s9;
	s9 =	sshrl.u32 s28, $0x3;
	s29 =	sadd.s32 $0xCC0, s11  }
0x10: {  	s11 =	sshrl.u32 @!p0 s1, $0x3;
	s25 =	sadd.s32 $0x38, s4;
	s8 =	sadd.s32 $0x32340, s7  }
0x11: {  	s9 =	sadd.s32 s9, s0;
	s0 =	simm.s32 $0x2;
	[dreg:$0x6] =	wrdreg s25  }
.LBB2_1:
0x12: {  	s10 =	simm.s32 @!p0 $0x1C04;
	s3 =	rddreg [dreg:$0x4]  }
0x13: {  	[spmem:s11], [sflag:s10] =	dma.local @!p0 [hbm:s3], $0x1FA0  }
0x14: {  	s10 =	simm.s32 @!p0 $0x4  }
0x15: {  	_ =	swait.ge @!p0 [sflag:s10], $0x1FA0  }
0x16: {  	[sflag:s10] =	ssyncset.done @!p0 $0x0  }
0x17: {  	[sflag:s10] =	ssyncadd.s32 @!p0 $0xFFFFE060  }
0x18: {  	[bflag:$0x0] =	sbarrier.arrive $0xFFFF  }
0x19: {  	[tilespmem:s12], [sflag:$0x4] =	stream.linear.gather [hbm4b:s4+s2], $0x1C0, $0x38;
	[tilespmem:$0xDF50] =	vst v63  }
0x1a: {  	_ =	swait.ge [sflag:s13], $0x1C0  }
0x1b: {  	[sflag:s13] =	ssyncset.done $0x0  }
0x1c: {  	[sflag:s13] =	ssyncadd.s32 $0xFFFFFE40  }
0x1d: {  	[tilespmem:s15], [sflag:$0x2] =	stream.indirect.gather [spmem:s1], $0x40, s12, s14, $0xb8;
	[tilespmem:$0xDF50] =	vst v63  }
0x1e: {  	s25 =	simm.s32 $0x1008;
	s5 =	simm.s32 $0x2010  }
0x1f: {  	[tilespmem:s5], [sflag:$0x2] =	stream.indirect.gather [spmem:s1], $0x40, s25, s14, $0xb8;
	[tilespmem:$0xDF50] =	vst v63  }
0x20: {  	s26 =	simm.s32 $0x1040;
	s30 =	simm.s32 $0x2CD0  }
0x21: {  	[tilespmem:s30], [sflag:$0x2] =	stream.indirect.gather [spmem:s1], $0x40, s26, s14, $0xb8;
	[tilespmem:$0xDF50] =	vst v63  }
0x22: {  	s6 =	simm.s32 $0x3990;
	s5 =	simm.s32 $0x1078  }
0x23: {  	[tilespmem:s6], [sflag:$0x2] =	stream.indirect.gather [spmem:s1], $0x40, s5, s14, $0xb8;
	[tilespmem:$0xDF50] =	vst v63  }
0x24: {  	s19 =	simm.s32 $0x4650;
	s10 =	simm.s32 $0x10B0  }
0x25: {  	[tilespmem:s19], [sflag:$0x2] =	stream.indirect.gather [spmem:s1], $0x40, s10, s14, $0xb8;
	[tilespmem:$0xDF50] =	vst v63  }
0x26: {  	s20 =	simm.s32 $0x10E8;
	s21 =	simm.s32 $0x5310  }
0x27: {  	[tilespmem:s21], [sflag:$0x2] =	stream.indirect.gather [spmem:s1], $0x40, s20, s14, $0xb8;
	[tilespmem:$0xDF50] =	vst v63  }
0x28: {  	s23 =	simm.s32 $0x1120;
	s24 =	simm.s32 $0x5FD0  }
0x29: {  	[tilespmem:s24], [sflag:$0x2] =	stream.indirect.gather [spmem:s1], $0x40, s23, s14, $0xb8;
	[tilespmem:$0xDF50] =	vst v63  }
0x2a: {  	s25 =	simm.s32 $0x1158;
	s26 =	simm.s32 $0x6C90  }
0x2b: {  	[tilespmem:s26], [sflag:$0x2] =	stream.indirect.gather [spmem:s1], $0x40, s25, s14, $0xb8;
	[tilespmem:$0xDF50] =	vst v63  }
0x2c: {  	s30 =	rddreg [dreg:$0x6]  }
0x2d: {  	[tilespmem:s31], [sflag:$0x1] =	stream.linear.gather [hbm4b:s30+s2], $0x1C0, $0x38;
	[tilespmem:$0xDF50] =	vst v63  }
0x2e: {  	_ =	swait.ge [sflag:s0], $0xCC0  }
0x2f: {  	[sflag:s0] =	ssyncset.done $0x0  }
0x30: {  	[sflag:s0] =	ssyncadd.s32 $0xFFFFF340  }
0x31: {  	_ =	swait.ge [sflag:s0], $0xCC0  }
0x32: {  	[sflag:s0] =	ssyncset.done $0x0  }
0x33: {  	[sflag:s0] =	ssyncadd.s32 $0xFFFFF340  }
0x34: {  	_ =	swait.ge [sflag:s0], $0xCC0  }
0x35: {  	[sflag:s0] =	ssyncset.done $0x0  }
0x36: {  	[sflag:s0] =	ssyncadd.s32 $0xFFFFF340  }
0x37: {  	_ =	swait.ge [sflag:s0], $0xCC0  }
0x38: {  	[sflag:s0] =	ssyncset.done $0x0  }
0x39: {  	[sflag:s0] =	ssyncadd.s32 $0xFFFFF340  }
0x3a: {  	_ =	swait.ge [sflag:s0], $0xCC0  }
0x3b: {  	[sflag:s0] =	ssyncset.done $0x0  }
0x3c: {  	[sflag:s0] =	ssyncadd.s32 $0xFFFFF340  }
0x3d: {  	_ =	swait.ge [sflag:s0], $0xCC0  }
0x3e: {  	[sflag:s0] =	ssyncset.done $0x0  }
0x3f: {  	[sflag:s0] =	ssyncadd.s32 $0xFFFFF340  }
0x40: {  	_ =	swait.ge [sflag:s0], $0xCC0  }
0x41: {  	[sflag:s0] =	ssyncset.done $0x0  }
0x42: {  	[sflag:s0] =	ssyncadd.s32 $0xFFFFF340  }
0x43: {  	s3 =	sand.u32 $0x1, s16;
	_ =	swait.ge [sflag:s0], $0xCC0  }
0x44: {  	s23 =	smul.u32 $0x19800, s3;
	[sflag:s0] =	ssyncset.done $0x0  }
0x45: {  	s24 =	smul.u32 $0x700, s3;
	[sflag:s0] =	ssyncadd.s32 $0xFFFFF340  }
0x46: {  	[hbm4b:s7+s2] =	stream.linear.scatter [tilespmem:s15], [sflag:$0x3], $0x6600, $0x38;
	[tilespmem:$0xDF50] =	vst v63  }
0x47: {  	_ =	swait.ge [sflag:s16], $0x1C0  }
0x48: {  	s23 =	sshrl.u32 s23, $0x2;
	s25 =	sshrl.u32 s24, $0x2;
	[sflag:s16] =	ssyncset.done $0x0  }
0x49: {  	s24 =	sadd.s32 $0x1350, s23;
	s26 =	sadd.s32 $0xFD0, s25;
	[sflag:s16] =	ssyncadd.s32 $0xFFFFFE40  }
0x4a: {  	[tilespmem:s24], [sflag:$0x2] =	stream.indirect.gather [spmem:s1], $0x40, s26, s14, $0xb8;
	[tilespmem:$0xDF50] =	vst v63  }
0x4b: {  	s5 =	sadd.s32 $0x2010, s23;
	s28 =	sor.u32 $0x1008, s25  }
0x4c: {  	[tilespmem:s5], [sflag:$0x2] =	stream.indirect.gather [spmem:s1], $0x40, s28, s14, $0xb8;
	[tilespmem:$0xDF50] =	vst v63  }
0x4d: {  	s6 =	sadd.s32 $0x2CD0, s23;
	s28 =	sadd.s32 $0x1040, s25  }
0x4e: {  	[tilespmem:s6], [sflag:$0x2] =	stream.indirect.gather [spmem:s1], $0x40, s28, s14, $0xb8;
	[tilespmem:$0xDF50] =	vst v63  }
0x4f: {  	s19 =	sadd.s32 $0x3990, s23;
	s28 =	sadd.s32 $0x1078, s25  }
0x50: {  	[tilespmem:s19], [sflag:$0x2] =	stream.indirect.gather [spmem:s1], $0x40, s28, s14, $0xb8;
	[tilespmem:$0xDF50] =	vst v63  }
0x51: {  	s20 =	sadd.s32 $0x4650, s23;
	s28 =	sadd.s32 $0x10B0, s25  }
0x52: {  	[tilespmem:s20], [sflag:$0x2] =	stream.indirect.gather [spmem:s1], $0x40, s28, s14, $0xb8;
	[tilespmem:$0xDF50] =	vst v63  }
0x53: {  	s10 =	sxor.u32 $0x1, s3;
	s21 =	sadd.s32 $0x5310, s23;
	s28 =	sadd.s32 $0x10E8, s25  }
0x54: {  	[tilespmem:s21], [sflag:$0x2] =	stream.indirect.gather [spmem:s1], $0x40, s28, s14, $0xb8;
	[tilespmem:$0xDF50] =	vst v63  }
0x55: {  	s10 =	smul.u32 $0x700, s10;
	s30 =	sadd.s32 $0x5FD0, s23;
	s28 =	sadd.s32 $0x1120, s25  }
0x56: {  	[tilespmem:s30], [sflag:$0x2] =	stream.indirect.gather [spmem:s1], $0x40, s28, s14, $0xb8;
	[tilespmem:$0xDF50] =	vst v63  }
0x57: {  	s10 =	sshrl.u32 s10, $0x2;
	s23 =	sadd.s32 $0x6C90, s23;
	s25 =	sadd.s32 $0x1158, s25  }
0x58: {  	[tilespmem:s23], [sflag:$0x2] =	stream.indirect.gather [spmem:s1], $0x40, s25, s14, $0xb8;
	[tilespmem:$0xDF50] =	vst v63  }
0x59: {  	s10 =	sadd.s32 $0xFD0, s10  }
0x5a: {  	[tilespmem:s10], [sflag:$0x1] =	stream.linear.gather [hbm4b:s9+s2], $0x1C0, $0x38;
	[tilespmem:$0xDF50] =	vst v63  }
0x5b: {  	_ =	swait.ge [sflag:s17], $0x6600  }
0x5c: {  	[sflag:s17] =	ssyncset.done $0x0  }
0x5d: {  	[sflag:s17] =	ssyncadd.s32 $0xFFFF9A00  }
0x5e: {  	_ =	swait.ge [sflag:s0], $0xCC0  }
0x5f: {  	[sflag:s0] =	ssyncset.done $0x0  }
0x60: {  	[sflag:s0] =	ssyncadd.s32 $0xFFFFF340  }
0x61: {  	_ =	swait.ge [sflag:s0], $0xCC0  }
0x62: {  	[sflag:s0] =	ssyncset.done $0x0  }
0x63: {  	[sflag:s0] =	ssyncadd.s32 $0xFFFFF340  }
0x64: {  	_ =	swait.ge [sflag:s0], $0xCC0  }
0x65: {  	[sflag:s0] =	ssyncset.done $0x0  }
0x66: {  	[sflag:s0] =	ssyncadd.s32 $0xFFFFF340  }
0x67: {  	_ =	swait.ge [sflag:s0], $0xCC0  }
0x68: {  	[sflag:s0] =	ssyncset.done $0x0  }
0x69: {  	[sflag:s0] =	ssyncadd.s32 $0xFFFFF340  }
0x6a: {  	_ =	swait.ge [sflag:s0], $0xCC0  }
0x6b: {  	[sflag:s0] =	ssyncset.done $0x0  }
0x6c: {  	[sflag:s0] =	ssyncadd.s32 $0xFFFFF340  }
0x6d: {  	_ =	swait.ge [sflag:s0], $0xCC0  }
0x6e: {  	[sflag:s0] =	ssyncset.done $0x0  }
0x6f: {  	[sflag:s0] =	ssyncadd.s32 $0xFFFFF340  }
0x70: {  	_ =	swait.ge [sflag:s0], $0xCC0  }
0x71: {  	s26 =	simm.s32 $0x2;
	[sflag:s0] =	ssyncset.done $0x0  }
0x72: {  	s28 =	simm.s32 $0x3;
	s25 =	sadd.s32 $0x38, s9;
	[sflag:s0] =	ssyncadd.s32 $0xFFFFF340  }
0x73: {  	s23 =	sadd.s32 $0xCC0, s29;
	s10 =	smov.u32 s29;
	_ =	swait.ge [sflag:s0], $0xCC0  }
.LBB2_2:
0x74: {  	s19 =	sand.u32 $0x1, s26  }
0x75: {  	[sflag:s0] =	ssyncset.done $0x0;
	s26 =	smov.u32 s28;
	s30 =	sadd.s32 $0x1, s28  }
0x76: {  	s20 =	smul.u32 $0x19800, s19;
	s21 =	sxor.u32 $0x1, s19;
	[sflag:s0] =	ssyncadd.s32 $0xFFFFF340  }
0x77: {  	[hbm4b:s10+s2] =	stream.linear.scatter [tilespmem:s24], [sflag:$0x3], $0x6600, $0x38;
	[tilespmem:$0xDF50] =	vst v63  }
0x78: {  	p1 =	sne.s32 s28, $0x3E;
	s10 =	smul.u32 $0x700, s19;
	_ =	swait.ge [sflag:s16], $0x1C0  }
0x79: {  	s19 =	sshrl.u32 s20, $0x2;
	s20 =	smul.u32 $0x700, s21;
	[sflag:s16] =	ssyncset.done $0x0  }
0x7a: {  	s24 =	sadd.s32 $0x1350, s19;
	s21 =	sshrl.u32 s10, $0x2;
	[sflag:s16] =	ssyncadd.s32 $0xFFFFFE40  }
0x7b: {  	s28 =	sadd.s32 $0x2010, s19;
	s10 =	sadd.s32 $0xFD0, s21;
	s3 =	sor.u32 $0x1008, s21  }
0x7c: {  	[tilespmem:s24], [sflag:$0x2] =	stream.indirect.gather [spmem:s1], $0x40, s10, s14, $0xb8;
	[tilespmem:$0xDF50] =	vst v63  }
0x7d: {  	s5 =	sadd.s32 $0x2CD0, s19;
	s6 =	sadd.s32 $0x1040, s21;
	s20 =	sshrl.u32 s20, $0x2  }
0x7e: {  	[tilespmem:s28], [sflag:$0x2] =	stream.indirect.gather [spmem:s1], $0x40, s3, s14, $0xb8;
	[tilespmem:$0xDF50] =	vst v63  }
0x7f: {  	s10 =	smov.u32 s23;
	s3 =	sadd.s32 $0x3990, s19;
	s28 =	sadd.s32 $0x1078, s21  }
0x80: {  	[tilespmem:s5], [sflag:$0x2] =	stream.indirect.gather [spmem:s1], $0x40, s6, s14, $0xb8;
	[tilespmem:$0xDF50] =	vst v63  }
0x81: {  	s5 =	sadd.s32 $0x4650, s19;
	s6 =	sadd.s32 $0x10B0, s21  }
0x82: {  	[tilespmem:s3], [sflag:$0x2] =	stream.indirect.gather [spmem:s1], $0x40, s28, s14, $0xb8;
	[tilespmem:$0xDF50] =	vst v63  }
0x83: {  	s3 =	sadd.s32 $0x5310, s19;
	s28 =	sadd.s32 $0x10E8, s21  }
0x84: {  	[tilespmem:s5], [sflag:$0x2] =	stream.indirect.gather [spmem:s1], $0x40, s6, s14, $0xb8;
	[tilespmem:$0xDF50] =	vst v63  }
0x85: {  	s5 =	sadd.s32 $0x5FD0, s19;
	s6 =	sadd.s32 $0x1120, s21  }
0x86: {  	[tilespmem:s3], [sflag:$0x2] =	stream.indirect.gather [spmem:s1], $0x40, s28, s14, $0xb8;
	[tilespmem:$0xDF50] =	vst v63  }
0x87: {  	s3 =	sadd.s32 $0x6C90, s19;
	s19 =	sadd.s32 $0x1158, s21  }
0x88: {  	[tilespmem:s5], [sflag:$0x2] =	stream.indirect.gather [spmem:s1], $0x40, s6, s14, $0xb8;
	[tilespmem:$0xDF50] =	vst v63  }
0x89: {  	s5 =	sadd.s32 $0xFD0, s20  }
0x8a: {  	[tilespmem:s3], [sflag:$0x2] =	stream.indirect.gather [spmem:s1], $0x40, s19, s14, $0xb8;
	[tilespmem:$0xDF50] =	vst v63  }
0x8b: {  	_ = 	snop  }
0x8c: {  	[tilespmem:s5], [sflag:$0x1] =	stream.linear.gather [hbm4b:s25+s2], $0x1C0, $0x38;
	[tilespmem:$0xDF50] =	vst v63  }
0x8d: {  	_ =	swait.ge [sflag:s17], $0x6600  }
0x8e: {  	[sflag:s17] =	ssyncset.done $0x0  }
0x8f: {  	[sflag:s17] =	ssyncadd.s32 $0xFFFF9A00  }
0x90: {  	_ =	swait.ge [sflag:s0], $0xCC0  }
0x91: {  	[sflag:s0] =	ssyncset.done $0x0  }
0x92: {  	[sflag:s0] =	ssyncadd.s32 $0xFFFFF340  }
0x93: {  	_ =	swait.ge [sflag:s0], $0xCC0  }
0x94: {  	[sflag:s0] =	ssyncset.done $0x0  }
0x95: {  	[sflag:s0] =	ssyncadd.s32 $0xFFFFF340  }
0x96: {  	_ =	swait.ge [sflag:s0], $0xCC0  }
0x97: {  	[sflag:s0] =	ssyncset.done $0x0  }
0x98: {  	[sflag:s0] =	ssyncadd.s32 $0xFFFFF340  }
0x99: {  	_ =	swait.ge [sflag:s0], $0xCC0  }
0x9a: {  	[sflag:s0] =	ssyncset.done $0x0  }
0x9b: {  	[sflag:s0] =	ssyncadd.s32 $0xFFFFF340  }
0x9c: {  	_ =	swait.ge [sflag:s0], $0xCC0  }
0x9d: {  	[sflag:s0] =	ssyncset.done $0x0  }
0x9e: {  	[sflag:s0] =	ssyncadd.s32 $0xFFFFF340  }
0x9f: {  	_ =	swait.ge [sflag:s0], $0xCC0  }
0xa0: {  	[sflag:s0] =	ssyncset.done $0x0  }
.Ltmp0:
0xa1: {  	[sflag:s0] =	ssyncadd.s32 $0xFFFFF340;
	(pc) =	sbr.rel @p1 .LBB2_2-.Ltmp0, $4  }
0xa2: {  	_ =	swait.ge [sflag:s0], $0xCC0  }
0xa3: {  	[sflag:s0] =	ssyncset.done $0x0  }
0xa4: {  	s23 =	sadd.s32 $0xCC0, s23;
	[sflag:s0] =	ssyncadd.s32 $0xFFFFF340  }
0xa5: {  	s28 =	smov.u32 s30;
	s25 =	sadd.s32 $0x38, s25;
	_ =	swait.ge [sflag:s0], $0xCC0  }
0xa6: {  	s3 =	sand.u32 $0x1, s26  }
0xa7: {  	[sflag:s0] =	ssyncset.done $0x0;
	s5 =	smul.u32 $0x19800, s3  }
0xa8: {  	[sflag:s0] =	ssyncadd.s32 $0xFFFFF340;
	s6 =	smul.u32 $0x700, s3  }
0xa9: {  	[hbm4b:s10+s2] =	stream.linear.scatter [tilespmem:s24], [sflag:$0x3], $0x6600, $0x38;
	[tilespmem:$0xDF50] =	vst v63  }
0xaa: {  	_ =	swait.ge [sflag:s16], $0x1C0  }
0xab: {  	s5 =	sshrl.u32 s5, $0x2;
	s6 =	sshrl.u32 s6, $0x2;
	[sflag:s16] =	ssyncset.done $0x0  }
0xac: {  	s10 =	sadd.s32 $0x1350, s5;
	s19 =	sadd.s32 $0xFD0, s6;
	[sflag:s16] =	ssyncadd.s32 $0xFFFFFE40  }
0xad: {  	[tilespmem:s10], [sflag:$0x2] =	stream.indirect.gather [spmem:s1], $0x40, s19, s14, $0xb8;
	[tilespmem:$0xDF50] =	vst v63  }
0xae: {  	s26 =	sadd.s32 $0x2010, s5;
	s20 =	sor.u32 $0x1008, s6  }
0xaf: {  	[tilespmem:s26], [sflag:$0x2] =	stream.indirect.gather [spmem:s1], $0x40, s20, s14, $0xb8;
	[tilespmem:$0xDF50] =	vst v63  }
0xb0: {  	s28 =	sadd.s32 $0x2CD0, s5;
	s30 =	sadd.s32 $0x1040, s6  }
0xb1: {  	[tilespmem:s28], [sflag:$0x2] =	stream.indirect.gather [spmem:s1], $0x40, s30, s14, $0xb8;
	[tilespmem:$0xDF50] =	vst v63  }
0xb2: {  	s21 =	sadd.s32 $0x1078, s6;
	s20 =	sadd.s32 $0x3990, s5  }
0xb3: {  	[tilespmem:s20], [sflag:$0x2] =	stream.indirect.gather [spmem:s1], $0x40, s21, s14, $0xb8;
	[tilespmem:$0xDF50] =	vst v63  }
0xb4: {  	s24 =	sadd.s32 $0x4650, s5;
	s26 =	sadd.s32 $0x10B0, s6  }
0xb5: {  	[tilespmem:s24], [sflag:$0x2] =	stream.indirect.gather [spmem:s1], $0x40, s26, s14, $0xb8;
	[tilespmem:$0xDF50] =	vst v63  }
0xb6: {  	s3 =	sxor.u32 $0x1, s3;
	s28 =	sadd.s32 $0x5310, s5;
	s30 =	sadd.s32 $0x10E8, s6  }
0xb7: {  	[tilespmem:s28], [sflag:$0x2] =	stream.indirect.gather [spmem:s1], $0x40, s30, s14, $0xb8;
	[tilespmem:$0xDF50] =	vst v63  }
0xb8: {  	s3 =	smul.u32 $0x700, s3;
	s21 =	sadd.s32 $0x5FD0, s5;
	s24 =	sadd.s32 $0x1120, s6  }
0xb9: {  	[tilespmem:s21], [sflag:$0x2] =	stream.indirect.gather [spmem:s1], $0x40, s24, s14, $0xb8;
	[tilespmem:$0xDF50] =	vst v63  }
0xba: {  	s3 =	sshrl.u32 s3, $0x2;
	s5 =	sadd.s32 $0x6C90, s5;
	s6 =	sadd.s32 $0x1158, s6  }
0xbb: {  	[tilespmem:s5], [sflag:$0x2] =	stream.indirect.gather [spmem:s1], $0x40, s6, s14, $0xb8;
	[tilespmem:$0xDF50] =	vst v63  }
0xbc: {  	s3 =	sadd.s32 $0xFD0, s3  }
0xbd: {  	[tilespmem:s3], [sflag:$0x1] =	stream.linear.gather [hbm4b:s25+s2], $0x1C0, $0x38;
	[tilespmem:$0xDF50] =	vst v63  }
0xbe: {  	_ =	swait.ge [sflag:s17], $0x6600  }
0xbf: {  	[sflag:s17] =	ssyncset.done $0x0  }
0xc0: {  	[sflag:s17] =	ssyncadd.s32 $0xFFFF9A00  }
0xc1: {  	_ =	swait.ge [sflag:s0], $0xCC0  }
0xc2: {  	[sflag:s0] =	ssyncset.done $0x0  }
0xc3: {  	[sflag:s0] =	ssyncadd.s32 $0xFFFFF340  }
0xc4: {  	_ =	swait.ge [sflag:s0], $0xCC0  }
0xc5: {  	[sflag:s0] =	ssyncset.done $0x0  }
0xc6: {  	[sflag:s0] =	ssyncadd.s32 $0xFFFFF340  }
0xc7: {  	_ =	swait.ge [sflag:s0], $0xCC0  }
0xc8: {  	[sflag:s0] =	ssyncset.done $0x0  }
0xc9: {  	[sflag:s0] =	ssyncadd.s32 $0xFFFFF340  }
0xca: {  	_ =	swait.ge [sflag:s0], $0xCC0  }
0xcb: {  	[sflag:s0] =	ssyncset.done $0x0  }
0xcc: {  	[sflag:s0] =	ssyncadd.s32 $0xFFFFF340  }
0xcd: {  	_ =	swait.ge [sflag:s0], $0xCC0  }
0xce: {  	[sflag:s0] =	ssyncset.done $0x0  }
0xcf: {  	[sflag:s0] =	ssyncadd.s32 $0xFFFFF340  }
0xd0: {  	_ =	swait.ge [sflag:s0], $0xCC0  }
0xd1: {  	[sflag:s0] =	ssyncset.done $0x0  }
0xd2: {  	[sflag:s0] =	ssyncadd.s32 $0xFFFFF340  }
0xd3: {  	_ =	swait.ge [sflag:s0], $0xCC0  }
0xd4: {  	[sflag:s0] =	ssyncset.done $0x0  }
0xd5: {  	[sflag:s0] =	ssyncadd.s32 $0xFFFFF340  }
0xd6: {  	_ =	swait.ge [sflag:s0], $0xCC0  }
0xd7: {  	[sflag:s0] =	ssyncset.done $0x0  }
0xd8: {  	[sflag:s0] =	ssyncadd.s32 $0xFFFFF340  }
0xd9: {  	[hbm4b:s23+s2] =	stream.linear.scatter [tilespmem:s10], [sflag:$0x3], $0x6600, $0x38;
	[tilespmem:$0xDF50] =	vst v63  }
0xda: {  	_ =	swait.ge [sflag:s16], $0x1C0  }
0xdb: {  	[sflag:s16] =	ssyncset.done $0x0  }
0xdc: {  	[sflag:s16] =	ssyncadd.s32 $0xFFFFFE40  }
0xdd: {  	[tilespmem:s18], [sflag:$0x2] =	stream.indirect.gather [spmem:s1], $0x40, s31, s14, $0xb8;
	[tilespmem:$0xDF50] =	vst v63  }
0xde: {  	s26 =	simm.s32 $0x8610;
	s25 =	simm.s32 $0x11C8  }
0xdf: {  	[tilespmem:s26], [sflag:$0x2] =	stream.indirect.gather [spmem:s1], $0x40, s25, s14, $0xb8;
	[tilespmem:$0xDF50] =	vst v63  }
0xe0: {  	s28 =	simm.s32 $0x1200;
	s30 =	simm.s32 $0x92D0  }
0xe1: {  	[tilespmem:s30], [sflag:$0x2] =	stream.indirect.gather [spmem:s1], $0x40, s28, s14, $0xb8;
	[tilespmem:$0xDF50] =	vst v63  }
0xe2: {  	s6 =	simm.s32 $0x1238;
	s10 =	simm.s32 $0x9F90  }
0xe3: {  	[tilespmem:s10], [sflag:$0x2] =	stream.indirect.gather [spmem:s1], $0x40, s6, s14, $0xb8;
	[tilespmem:$0xDF50] =	vst v63  }
0xe4: {  	s19 =	simm.s32 $0x1270;
	s20 =	simm.s32 $0xAC50  }
0xe5: {  	[tilespmem:s20], [sflag:$0x2] =	stream.indirect.gather [spmem:s1], $0x40, s19, s14, $0xb8;
	[tilespmem:$0xDF50] =	vst v63  }
0xe6: {  	s21 =	simm.s32 $0x12A8;
	s23 =	simm.s32 $0xB910  }
0xe7: {  	[tilespmem:s23], [sflag:$0x2] =	stream.indirect.gather [spmem:s1], $0x40, s21, s14, $0xb8;
	[tilespmem:$0xDF50] =	vst v63  }
0xe8: {  	s24 =	simm.s32 $0x12E0;
	s25 =	simm.s32 $0xC5D0  }
0xe9: {  	[tilespmem:s25], [sflag:$0x2] =	stream.indirect.gather [spmem:s1], $0x40, s24, s14, $0xb8;
	[tilespmem:$0xDF50] =	vst v63  }
0xea: {  	s26 =	simm.s32 $0x1318;
	s28 =	simm.s32 $0xD290  }
0xeb: {  	[tilespmem:s28], [sflag:$0x2] =	stream.indirect.gather [spmem:s1], $0x40, s26, s14, $0xb8;
	[tilespmem:$0xDF50] =	vst v63  }
0xec: {  	_ =	swait.ge [sflag:s17], $0x6600  }
0xed: {  	[sflag:s17] =	ssyncset.done $0x0  }
0xee: {  	[sflag:s17] =	ssyncadd.s32 $0xFFFF9A00  }
0xef: {  	_ =	swait.ge [sflag:s0], $0xCC0  }
0xf0: {  	[sflag:s0] =	ssyncset.done $0x0  }
0xf1: {  	[sflag:s0] =	ssyncadd.s32 $0xFFFFF340  }
0xf2: {  	_ =	swait.ge [sflag:s0], $0xCC0  }
0xf3: {  	[sflag:s0] =	ssyncset.done $0x0  }
0xf4: {  	[sflag:s0] =	ssyncadd.s32 $0xFFFFF340  }
0xf5: {  	_ =	swait.ge [sflag:s0], $0xCC0  }
0xf6: {  	[sflag:s0] =	ssyncset.done $0x0  }
0xf7: {  	[sflag:s0] =	ssyncadd.s32 $0xFFFFF340  }
0xf8: {  	_ =	swait.ge [sflag:s0], $0xCC0  }
0xf9: {  	[sflag:s0] =	ssyncset.done $0x0  }
0xfa: {  	[sflag:s0] =	ssyncadd.s32 $0xFFFFF340  }
0xfb: {  	_ =	swait.ge [sflag:s0], $0xCC0  }
0xfc: {  	[sflag:s0] =	ssyncset.done $0x0  }
0xfd: {  	[sflag:s0] =	ssyncadd.s32 $0xFFFFF340  }
0xfe: {  	_ =	swait.ge [sflag:s0], $0xCC0  }
0xff: {  	[sflag:s0] =	ssyncset.done $0x0  }
0x100: {  	[sflag:s0] =	ssyncadd.s32 $0xFFFFF340  }
0x101: {  	_ =	swait.ge [sflag:s0], $0xCC0  }
0x102: {  	[sflag:s0] =	ssyncset.done $0x0  }
0x103: {  	[sflag:s0] =	ssyncadd.s32 $0xFFFFF340  }
0x104: {  	_ =	swait.ge [sflag:s0], $0xCC0  }
0x105: {  	[sflag:s0] =	ssyncset.done $0x0  }
0x106: {  	[sflag:s0] =	ssyncadd.s32 $0xFFFFF340  }
0x107: {  	[hbm4b:s8+s2] =	stream.linear.scatter [tilespmem:s18], [sflag:$0x3], $0x6600, $0x38;
	[tilespmem:$0xDF50] =	vst v63  }
0x108: {  	_ =	swait.ge [sflag:s17], $0x6600  }
0x109: {  	s22 =	sadd.s32 $0x1, s22;
	s30 =	rddreg [dreg:$0x5]  }
0x10a: {  	p1 =	sne.s32 s22, s30  }
.Ltmp1:
0x10b: {  	_ = 	snop;
	(pc) =	sbr.rel @p1 .LBB2_1-.Ltmp1, $3  }
0x10c: {  	_ =	sdelay $0x1  }
0x10d: {  	[sflag:s17] =	ssyncset.done $0x0  }
0x10e: {  	[sflag:s17] =	ssyncadd.s32 $0xFFFF9A00  }
0x10f: {  	_ =	sfence.sel $0x180000  }
0x110: {  	[bflag:$0x0] =	sbarrier.arrive $0xFFFF  }
0x111: {  	_ =	strace $0x90000047  }
0x112: {  	[bflag:$0x2] =	sbarrier.arrive $0xFFFF  }
0x113: {  	s0 =	rddreg [dreg:$0x3]  }
0x114: {  	s0 =	sadd.s32 @!p0 $0x100000, s0  }
0x115: {  	[sflag:s0] =	ssyncadd.tile.s32 @!p0 $0x1;
	_ =	shalt  }
.Lfunc_end2:
_tile_overlayer_lowered:
.L_overlay_start_2:
0x116: {  	(tag) =	ssettag $0x2  }
0x117: {  	s0 =	rddreg [dreg:$0x0];
	s2 =	stileid.u32  }
0x118: {  	s1 =	rddreg [dreg:$0x1];
	p0 =	sne.s32 s2, $0x0  }
0x119: {  	s3 =	rddreg [dreg:$0x2];
	[bflag:$0x3] =	sbarrier.arrive $0xFFFF;
	s2 =	simm.s32 @!p0 $0x1C04  }
0x11a: {  	[timem:s3], [sflag:s2] =	dma.local @!p0 [hbm:s0], s1  }
0x11b: {  	s0 =	simm.s32 @!p0 $0x4  }
0x11c: {  	_ =	swait.ge @!p0 [sflag:s0], s1  }
0x11d: {  	s1 =	ssub.s32 @!p0 $0x0, s1;
	[sflag:s0] =	ssyncset.done @!p0 $0x0  }
0x11e: {  	[sflag:s0] =	ssyncadd.s32 @!p0 s1  }
0x11f: {  	[bflag:$0x3] =	sbarrier.arrive $0xFFFF  }
0x120: {  	_ =	shalt  }

// kernel: sparse-core-data-format-call.cloned.1.call-start
scs
called_computation_lowered:
.L_overlay_start_0:
0x0: {  	s2 =	sld [smem:$0x3FD9]  }
0x1: {  	s3 =	sld [smem:$0x3FFE];
	_ =	sdelay $0x1  }
0x2: {  	s1 =	srdreg.scid  }
0x3: {  	s0 =	sand.u32 $0x1, s1  }
0x4: {  	s18 =	sshll.u32 s0, $0xA;
	s2 =	sadd.s32 s3, s2  }
0x5: {  	s2 =	sadd.s32 s2, s18  }
0x6: {  	[smem:$0x3FC4] =	sst s2  }
0x7: {  	_ = 	snop  }
0x8: {  	s2 =	sld [smem:$0x3FD0];
	(tm) =	ssettm $0x1  }
0x9: {  	s19 =	sld [smem:$0x3FFB];
	_ =	sdelay $0x3  }
0xa: {  	_ =	strace s19  }
0xb: {  	s3 =	sld [smem:$0x3FFC];
	_ =	sdelay $0x3  }
0xc: {  	_ =	strace s3  }
0xd: {  	s3 =	sld [smem:$0x3FFD];
	_ =	sdelay $0x3  }
0xe: {  	_ =	strace s3  }
0xf: {  	_ =	strace $0x8FFFFFFF  }
0x10: {  	s20 =	sld [smem:$0x3FDB];
	_ =	sdelay $0x1  }
0x11: {  	s4 =	simm.s32 $_scs_section_size  }
0x12: {  	s5 =	simm.s32 $_size__tile_overlayer_lowered;
	s6 =	simm.s32 $_tile_overlayer_lowered  }
0x13: {  	s23 =	simm.s32 $0x1BFF;
	s22 =	sshll.u32 s6, $0x1;
	s3 =	sadd.s32 s4, s20  }
0x14: {  	s7 =	simm.s32 $0x0;
	s21 =	sshll.u32 s5, $0x1;
	s5 =	sadd.s32 s22, s3  }
0x15: {  	[timem:s7], [sflag:s23] =	dma.local [hbm:s5], s21  }
0x16: {  	_ =	swait.ge [sflag:s23], s21  }
0x17: {  	s4 =	ssub.s32 $0x0, s21;
	[sflag:s23] =	ssyncset.done $0x0  }
0x18: {  	[sflag:s23] =	ssyncadd.s32 s4;
	_ =	sdelay $0x1  }
0x19: {  	s24 =	simm.s32 $0x1B8B  }
0x1a: {  	_ =	swait.ge [sflag:s24], $0x1  }
0x1b: {  	[sflag:s24] =	ssyncset.done $0x0  }
0x1c: {  	s26 =	simm.s32 $0x1B8E;
	s25 =	sld [smem:$0x3FFE];
	[sflag:s24] =	ssyncadd.s32 $0xFFFFFFFF  }
0x1d: {  	s27 =	simm.s32 $execute0_lowered;
	[smem:$0x3FD2] =	sst s26  }
0x1e: {  	s5 =	sshll.u32 s27, $0x1;
	_ =	strace $0x80000049;
	[dreg:$0x1] =	wrdreg $0xFFFFFFFF  }
0x1f: {  	s28 =	simm.s32 $_size_execute0_lowered;
	s3 =	sadd.s32 s3, s5;
	[dreg:$0x0] =	wrdreg $0x0  }
0x20: {  	s5 =	sshll.u32 s28, $0x1;
	[dreg:$0x2] =	wrdreg s3  }
0x21: {  	[dreg:$0x3] =	wrdreg s5  }
0x22: {  	[dreg:$0x4] =	wrdreg $0xC0  }
0x23: {  	_ =	task [dreg:s7], $0x5FFFF  }
0x24: {  	[dreg:$0x1] =	wrdreg $0xFFFFFFFF  }
0x25: {  	[dreg:$0x0] =	wrdreg $0x60  }
0x26: {  	[dreg:$0x2] =	wrdreg s25  }
0x27: {  	[dreg:$0x3] =	wrdreg s2  }
0x28: {  	[dreg:$0x4] =	wrdreg $0x9  }
0x29: {  	_ =	task.clear_ibuf [dreg:s7], $0x5FFFF;
	_ =	strace $0x90000049  }
0x2a: {  	s29 =	simm.s32 $0x9;
	_ =	strace $0x8000004B  }
0x2b: {  	_ =	swait.ge [sflag:s29], $0x1  }
0x2c: {  	[sflag:s29] =	ssyncadd.s32 $0xFFFFFFFF  }
0x2d: {  	_ =	strace $0x9000004B  }
0x2e: {  	_ =	sfence  }
0x2f: {  	s30 =	sld [smem:$0x0];
	_ =	sdelay $0x2  }
0x30: {  	s31 =	sshll.u32 s1, $0xD;
	s1 =	sshrl.u32 s1, $0x2  }
0x31: {  	s3 =	sand.u32 $0x4000, s31;
	s1 =	sadd.s32 s1, s30  }
0x32: {  	s0 =	sor.u32 s3, s0;
	s1 =	sshll.u32 s1, $0x11  }
0x33: {  	s0 =	sor.u32 s1, s0  }
0x34: {  	s0 =	sadd.s32 $0x8F2B, s0  }
0x35: {  	[sflag:s0] =	ssyncadd.remote.s32 $0x1  }
0x36: {  	_ =	sfence.sel $0xFFFF  }
0x37: {  	[dreg:$0x0] =	wrdreg $0xFFFFFFFF;
	(pc) =	sbr.abs _section_cstart, $3  }
0x38: {  	[dreg:$0x1] =	wrdreg $0xFFFFFFFF  }
0x39: {  	_ =	task.clear_ibuf [dreg:s7], $0x2FFFF;
	_ =	strace $0x9FFFFFFF  }
0x3a: {  	(tm) =	ssettm $0x7FFFFFFF  }
0x3b: {  	_ =	shalt  }
tec
execute0_lowered:
.L_overlay_start_1:
0x0: {  	(tag) =	ssettag $0x1  }
0x1: {  	s0 =	srdreg.scid  }
0x2: {  	s1 =	sshll.u32 s0, $0x4  }
0x3: {  	s0 =	stileid.u32;
	s1 =	sand.u32 $0x10, s1  }
0x4: {  	s1 =	sor.u32 s0, s1  }
0x5: {  	s6 =	rddreg [dreg:$0x0];
	s4 =	simm.s32 $0x1;
	s2 =	sshll.u32 s1, $0x7  }
0x6: {  	s7 =	simm.s32 $0x2;
	s12 =	simm.s32 $0x0;
	s1 =	ssub.s32 $0x4000, s2  }
0x7: {  	s8 =	simm.s32 $0x20000;
	s13 =	simm.s32 $0x0;
	s3 =	sand.u32 $0xF80, s1  }
0x8: {  	s9 =	simm.s32 $0x0;
	s5 =	sshrl.u32 s1, $0xC;
	p0 =	sne.s32 s3, $0x0  }
.Ltmp0:
0x9: {  	s1 =	rddreg [dreg:$0x2];
	s4 =	simm.s32 @!p0 $0x0;
	(pc) =	sbr.rel .LBB1_1-.Ltmp0, $4  }
0xa: {  	s11 =	simm.s32 $0x0;
	s3 =	rddreg [dreg:$0x1];
	s5 =	sadd.s32 s4, s5  }
0xb: {  	_ =	strace $0x8000004A;
	s4 =	simm.s32 $0x1;
	s5 =	smul.u32 $0x33, s5  }
0xc: {  	s6 =	sadd.s32 $0x800, s6;
	s10 =	smov.u32 s2;
	[sflag:s4] =	ssyncpa.u1 $0x0  }
0xd: {  	p0 =	por $0x0, $0x0;
	[sflag:s7] =	ssyncpa.u1 $0x0;
	s7 =	sadd.s32 $0x1, s5  }
.LBB1_4:
0xe: {  	s16 =	sshll.u32 s13, $0x3;
	s17 =	sand.u32 $0x78, s13  }
0xf: {  	s30 =	sand.u32 $0x1F800, s13;
	s12 =	sshll.u32 s12, $0x11;
	s16 =	sand.u32 $0x3C00, s16  }
0x10: {  	[tilespmem:s15+$0x810 ss:$0x81] =	vst.msk $0xffff, v2;
	s31 =	sand.u32 $0x7, s13;
	s16 =	sor.u32 s17, s16;
	s17 =	sadd.s32 s3, s30  }
0x11: {  	[tilespmem:s15+$0x1020 ss:$0x81] =	vst.msk $0xffff, v0;
	s13 =	sshll.u32 s31, $0x12;
	s12 =	sadd.s32 s12, s17;
	s16 =	sshrl.u32 s16, $0x3  }
0x12: {  	[tilespmem:s15+$0x0 ss:$0x81] =	vst.msk $0xffff, v1;
	s13 =	sor.u32 $0x400, s13;
	s12 =	sadd.s32 s16, s12  }
0x13: {  	[hbm4b:s12+s13] =	stream.strided.scatter [tilespmem:s14], [sflag:$0x2], $0x2000, s8, s13, $0x20;
	[tilespmem:$0x8080] =	vst v63  }
.LBB1_5:
0x14: {  	s14 =	sadd.s32 $0x1, s9  }
0x15: {  	s12 =	sadd.s32 $0x1000, s10;
	s16 =	smov.u32 s10;
	p2 =	sgt.s32 s14, $0x32  }
0x16: {  	s16 =	smov.u32 @p2 s12  }
0x17: {  	s14 =	simm.s32 @p2 $0x0;
	p2 =	sgt.s32 s16, $0x3FFF  }
0x18: {  	s16 =	smov.u32 @p2 s2;
	p2 =	sne.s32 s11, s7  }
.Ltmp1:
0x19: {  	p1 =	slt.u32 s11, $0x2;
	(pc) =	sbr.rel @!p2 .LBB1_6-.Ltmp1, $4  }
0x1a: {  	s15 =	simm.s32 @!p1 $0x2  }
0x1b: {  	s13 =	smov.u32 s10;
	p0 =	por !p0, !p0;
	_ =	swait.ge @!p1 [sflag:s15], $0x2000  }
0x1c: {  	s12 =	smov.u32 s9;
	[sflag:s15] =	ssyncset.done @!p1 $0x0;
	s9 =	smov.u32 s14  }
0x1d: {  	s11 =	sadd.s32 $0x1, s11;
	[sflag:s15] =	ssyncadd.s32 @!p1 $0xFFFFE000;
	s10 =	smov.u32 s16  }
.LBB1_1:
0x1e: {  	p1 =	sge.u32 s11, s5  }
0x1f: {  	s14 =	sand.u32 @!p1 $0x1FFFFFF, s9  }
0x20: {  	s15 =	smulhi.u32 @!p1 $0x4924925, s14;
	_ =	sdelay $0x1  }
0x21: {  	s15 =	smul.u32 @!p1 $0x38, s15  }
0x22: {  	s16 =	sxor.u32 @!p1 $0xFFFFFFFF, s11;
	s17 =	smul.u32 @!p1 $0x380, s10  }
0x23: {  	s31 =	sadd.s32 $0xFFFFFFFF, s11;
	s16 =	sshll.u32 @!p1 s16, $0xD;
	s14 =	ssub.s32 @!p1 s14, s15  }
0x24: {  	s15 =	sand.u32 @!p1 $0x2000, s16;
	s16 =	sadd.s32 @!p1 s6, s17;
	s14 =	sshll.u32 @!p1 s14, $0x4  }
0x25: {  	s17 =	simm.s32 @!p1 $0x1C00;
	s14 =	sadd.s32 @!p1 s14, s16;
	s16 =	simm.s32 @!p1 $0x40  }
0x26: {  	[tilespmem:s15], [sflag:$0x1] =	stream.strided.gather @!p1 [hbm4b:s14+s16], $0x2000, s17, s16, $0x38;
	[tilespmem:$0x8080] =	vst v63  }
0x27: {  	p1 =	sge.u32 s31, s5  }
.Ltmp2:
0x28: {  	_ = 	snop;
	(pc) =	sbr.rel @p1 .LBB1_5-.Ltmp2, $1  }
0x29: {  	_ =	sdelay $0x3  }
0x2a: {  	s14 =	simm.s32 $0x1  }
0x2b: {  	_ =	swait.ge [sflag:s4], $0x2000;
	s14 =	simm.s32 @!p0 $0x0  }
0x2c: {  	[sflag:s4] =	ssyncset.done $0x0;
	s15 =	sshll.u32 s14, $0xD  }
0x2d: {  	[sflag:s4] =	ssyncadd.s32 $0xFFFFE000;
	s18 =	sor.u32 $0x20, s15  }
0x2e: {  	s14 =	smul.u32 $0x8100, s14;
	v3 =	vld [tilespmem:s18+$0x10]  }
0x2f: {  	s30 =	sand.u32 $0x1, s11;
	v2 =	vld [tilespmem:s18+$0xFFFFFFF0]  }
0x30: {  	s15 =	smul.u32 $0x8100, s30;
	s14 =	sshrl.u32 s14, $0x2;
	v0 =	vld [tilespmem:s18+$0x0]  }
0x31: {  	v1 =	vld [tilespmem:s18+$0xFFFFFFE0];
	s16 =	sor.u32 $0x4000, s14  }
0x32: {  	s31 =	sshrl.u32 s15, $0x2;
	s15 =	sadd.s32 $0x0, s16  }
0x33: {  	s17 =	simm.s32 $0x4;
	s18 =	sadd.s32 $0x40, s18;
	s14 =	sor.u32 $0x4000, s31;
	[tilespmem:s15+$0x1830 ss:$0x81] =	vst.msk $0xffff, v3  }
.LBB1_3:
0x34: {  	v3 =	vld [tilespmem:s18+$0x10];
	p1 =	sne.s32 s17, $0x1FC;
	[tilespmem:s15+$0x810 ss:$0x81] =	vst.msk $0xffff, v2;
	s19 =	smov.u32 s17;
	s17 =	sadd.s32 $0x4, s17  }
.Ltmp3:
0x35: {  	v2 =	vld [tilespmem:s18+$0xFFFFFFF0];
	[tilespmem:s15+$0x1020 ss:$0x81] =	vst.msk $0xffff, v0;
	(pc) =	sbr.rel @p1 .LBB1_3-.Ltmp3, $4  }
0x36: {  	v0 =	vld [tilespmem:s18+$0x0];
	[tilespmem:s15+$0x0 ss:$0x81] =	vst.msk $0xffff, v1  }
0x37: {  	s15 =	sshra.s32 s19, $0x2;
	v1 =	vld [tilespmem:s18+$0xFFFFFFE0]  }
0x38: {  	s15 =	sadd.s32 s15, s16  }
0x39: {  	s18 =	sadd.s32 $0x40, s18;
	[tilespmem:s15+$0x1830 ss:$0x81] =	vst.msk $0xffff, v3  }
.Ltmp4:
0x3a: {  	_ = 	snop;
	(pc) =	sbr.rel .LBB1_4-.Ltmp4, $1  }
0x3b: {  	_ =	sdelay $0x3  }
.LBB1_6:
0x3c: {  	_ =	sfence.sel $0x180000  }
0x3d: {  	s2 =	simm.s32 $0x1;
	[bflag:$0x0] =	sbarrier.arrive $0xFFFF  }
0x3e: {  	s31 =	simm.s32 $0x2;
	[sflag:s2] =	ssyncpa.u1 $0x1  }
0x3f: {  	[sflag:s31] =	ssyncpa.u1 $0x1  }
0x40: {  	p0 =	sne.s32 s0, $0x0;
	_ =	strace $0x9000004A  }
0x41: {  	s0 =	sadd.s32 @!p0 $0x100000, s1;
	[bflag:$0x2] =	sbarrier.arrive $0xFFFF  }
0x42: {  	[sflag:s0] =	ssyncadd.tile.s32 @!p0 $0x1;
	_ =	shalt  }
.Lfunc_end1:
_tile_overlayer_lowered:
.L_overlay_start_2:
0x43: {  	(tag) =	ssettag $0x2  }
0x44: {  	s0 =	rddreg [dreg:$0x0];
	s2 =	stileid.u32  }
0x45: {  	s1 =	rddreg [dreg:$0x1];
	p0 =	sne.s32 s2, $0x0  }
0x46: {  	s3 =	rddreg [dreg:$0x2];
	[bflag:$0x3] =	sbarrier.arrive $0xFFFF;
	s2 =	simm.s32 @!p0 $0x1C01  }
0x47: {  	[timem:s3], [sflag:s2] =	dma.local @!p0 [hbm:s0], s1  }
0x48: {  	s0 =	simm.s32 @!p0 $0x1  }
0x49: {  	_ =	swait.ge @!p0 [sflag:s0], s1  }
0x4a: {  	s1 =	ssub.s32 @!p0 $0x0, s1;
	[sflag:s0] =	ssyncset.done @!p0 $0x0  }
0x4b: {  	[sflag:s0] =	ssyncadd.s32 @!p0 s1  }
0x4c: {  	[bflag:$0x3] =	sbarrier.arrive $0xFFFF  }
0x4d: {  	_ =	shalt  }

</sc_bundles>
